<compile_context>
chip_gen: v7x
topology: tpu7x:2x2x1
jax: 0.10.2.dev20260603
libtpu: 0.0.44.dev20260713+nightly
codegen_flags: <defaults>
</compile_context>

<pallas_src>
import functools

import jax
import jax.numpy as jnp
import numpy as np
from jax import lax
from jax.experimental import pallas as pl
from jax.experimental.pallas import tpu as pltpu
from jax.experimental.pallas import tpu_sc as plsc

NC, NS = 2, 16
NW = NC * NS
B, S, D = 4096, 200, 300
DM = 256
DT = 64
PW = DM + DT
GM = DM // 32
GT = DT // 32
H = S // 2
RPW = B // NW
HPW = 2 * RPW


def _pool_body(x_hbm, main_hbm, tail_hbm, out_hbm,
               idx_v, bufm0, bufm1, buft0, buft1, acc_v, sem0, sem1):
    wid = lax.axis_index("s") * NC + lax.axis_index("c")
    base_h = wid * HPW
    pltpu.sync_copy(x_hbm.at[pl.ds(base_h, HPW)], idx_v)
    pltpu.async_copy(main_hbm.at[idx_v.at[0]], bufm0, sem0)
    pltpu.async_copy(tail_hbm.at[idx_v.at[0]], buft0, sem0)
    pltpu.async_copy(main_hbm.at[idx_v.at[1]], bufm1, sem1)
    pltpu.async_copy(tail_hbm.at[idx_v.at[1]], buft1, sem1)

    himask = jnp.full((16,), -65536, jnp.int32)

    def widen(v):
        lo = plsc.bitcast(lax.shift_left(v, 16), jnp.float32)
        hi = plsc.bitcast(lax.bitwise_and(v, himask), jnp.float32)
        return lo, hi

    def accum(bufm, buft, accs):
        def body(s, accs):
            out = list(accs)
            for g in range(GM):
                v = plsc.bitcast(bufm[s, pl.ds(g * 32, 32)], jnp.int32)
                a, b = widen(v)
                out[2 * g] = out[2 * g] + a
                out[2 * g + 1] = out[2 * g + 1] + b
            for t in range(GT):
                v = plsc.bitcast(buft[s, pl.ds(t * 32, 32)], jnp.int32)
                a, b = widen(v)
                out[2 * GM + 2 * t] = out[2 * GM + 2 * t] + a
                out[2 * GM + 2 * t + 1] = out[2 * GM + 2 * t + 1] + b
            return tuple(out)
        return lax.fori_loop(0, H, body, accs)

    def drain(g, bufm, buft, sem):
        pltpu.make_async_copy(main_hbm.at[idx_v.at[g]], bufm, sem).wait()
        pltpu.make_async_copy(tail_hbm.at[idx_v.at[g]], buft, sem).wait()

    def row_body(r, carry):
        g = 2 * r
        accs = tuple(jnp.zeros((16,), jnp.float32) for _ in range(PW // 16))

        drain(g, bufm0, buft0, sem0)
        accs = accum(bufm0, buft0, accs)

        @pl.when(r < RPW - 1)
        def _():
            pltpu.async_copy(main_hbm.at[idx_v.at[g + 2]], bufm0, sem0)
            pltpu.async_copy(tail_hbm.at[idx_v.at[g + 2]], buft0, sem0)

        drain(g + 1, bufm1, buft1, sem1)
        accs = accum(bufm1, buft1, accs)

        @pl.when(r < RPW - 1)
        def _():
            pltpu.async_copy(main_hbm.at[idx_v.at[g + 3]], bufm1, sem1)
            pltpu.async_copy(tail_hbm.at[idx_v.at[g + 3]], buft1, sem1)

        for c in range(PW // 16):
            acc_v[pl.ds(c * 16, 16)] = accs[c]
        pltpu.sync_copy(acc_v, out_hbm.at[wid * RPW + r])
        return carry

    lax.fori_loop(0, RPW, row_body, 0)


def _pooled_sums(x2, main, tail):
    return pl.kernel(
        _pool_body,
        out_type=jax.ShapeDtypeStruct((B, PW), jnp.float32),
        mesh=plsc.VectorSubcoreMesh(core_axis_name="c", subcore_axis_name="s"),
        scratch_types=[
            pltpu.VMEM((HPW, H), jnp.int32),
            pltpu.VMEM((H, DM), jnp.bfloat16),
            pltpu.VMEM((H, DM), jnp.bfloat16),
            pltpu.VMEM((H, DT), jnp.bfloat16),
            pltpu.VMEM((H, DT), jnp.bfloat16),
            pltpu.VMEM((PW,), jnp.float32),
            pltpu.SemaphoreType.DMA,
            pltpu.SemaphoreType.DMA,
        ],
        compiler_params=pltpu.CompilerParams(use_tc_tiling_on_sc=False,
                                             needs_layout_passes=False),
    )(x2, main, tail)


def _pooled_col_map():
    src = np.zeros(PW, np.int32)
    valid = np.zeros(PW, bool)
    for j in range(PW):
        g, k = divmod(j, 32)
        local = 2 * k if k < 16 else 2 * (k - 16) + 1
        col = g * 32 + local if g < GM else DM + (g - GM) * 32 + local
        src[j] = min(col, D - 1)
        valid[j] = col < D
    return src, valid

_SRC_COLS, _SRC_VALID = _pooled_col_map()


def _mlp_body(x_ref, w1_ref, b1_ref, w2_ref, b2_ref, w3_ref, b3_ref, o_ref):
    p = jax.lax.Precision.HIGHEST
    h = jnp.dot(x_ref[...], w1_ref[...], precision=p,
                preferred_element_type=jnp.float32)
    h = jnp.maximum(h + b1_ref[...], 0.0)
    h = jnp.dot(h, w2_ref[...], precision=p,
                preferred_element_type=jnp.float32)
    h = jnp.maximum(h + b2_ref[...], 0.0)
    o_ref[...] = jnp.dot(h, w3_ref[...], precision=p,
                         preferred_element_type=jnp.float32) + b3_ref[...]


def _mlp(pooled, W1p, b1, W2, b2, W3, b3):
    nb = 8
    bm = B // nb
    return pl.pallas_call(
        _mlp_body,
        grid=(nb,),
        in_specs=[
            pl.BlockSpec((bm, PW), lambda i: (i, 0)),
            pl.BlockSpec((PW, 256), lambda i: (0, 0)),
            pl.BlockSpec((1, 256), lambda i: (0, 0)),
            pl.BlockSpec((256, 128), lambda i: (0, 0)),
            pl.BlockSpec((1, 128), lambda i: (0, 0)),
            pl.BlockSpec((128, 32), lambda i: (0, 0)),
            pl.BlockSpec((1, 32), lambda i: (0, 0)),
        ],
        out_specs=pl.BlockSpec((bm, 32), lambda i: (i, 0)),
        out_shape=jax.ShapeDtypeStruct((B, 32), jnp.float32),
    )(pooled, W1p, b1.reshape(1, 256), W2, b2.reshape(1, 128),
      W3, b3.reshape(1, 32))


def kernel(x, table, W1, b1, W2, b2, W3, b3):
    x2 = x.astype(jnp.int32).reshape(B * 2, H)
    t16 = table.astype(jnp.bfloat16)
    main = t16[:, :DM]
    tail = jnp.pad(t16[:, DM:], ((0, 0), (0, PW - D)))
    W1s = W1 * (1.0 / S)
    W1p = jnp.where(jnp.asarray(_SRC_VALID)[:, None],
                    W1s[jnp.asarray(_SRC_COLS)], 0.0)
    pooled = _pooled_sums(x2, main, tail)
    return _mlp(pooled, W1p, b1, W2, b2, W3, b3)

# --- scband reference (transcript-rebuilt; emitter-appended) ---
"""Pipeline reference for scband-deep-average-network-66907000537381 (READ-ONLY COPY).

The authoritative reference and input builder live on the scoring server;
editing this copy changes nothing except your own understanding.
"""

import jax, jax.numpy as jnp
import numpy as np

VOCAB = 100000
EMB_DIM = 300
BATCH = 4096
SEQ = 200
N_CLASSES = 32


def setup_inputs(seed: int = 0) -> dict:
    key = jax.random.key(seed)
    ks = jax.random.split(key, 8)
    x = jax.random.randint(ks[0], (BATCH, SEQ), 0, VOCAB, dtype=jnp.int64 if jax.config.jax_enable_x64 else jnp.int32)
    table = jax.random.normal(ks[1], (VOCAB, EMB_DIM), dtype=jnp.float32)
    W1 = jax.random.normal(ks[2], (EMB_DIM, 256), dtype=jnp.float32) * (1.0 / np.sqrt(EMB_DIM))
    b1 = jnp.zeros((256,), dtype=jnp.float32)
    W2 = jax.random.normal(ks[3], (256, 128), dtype=jnp.float32) * (1.0 / np.sqrt(256))
    b2 = jnp.zeros((128,), dtype=jnp.float32)
    W3 = jax.random.normal(ks[4], (128, N_CLASSES), dtype=jnp.float32) * (1.0 / np.sqrt(128))
    b3 = jnp.zeros((N_CLASSES,), dtype=jnp.float32)
    return {"x": x, "table": table, "W1": W1, "b1": b1, "W2": W2, "b2": b2, "W3": W3, "b3": b3}


def reference(x, table, W1, b1, W2, b2, W3, b3):
    # embedding lookup: [B, S] -> [B, S, D]
    emb = jnp.take(table, x, axis=0)
    # deep-average: mean over sequence axis (dim=-2)
    h = jnp.mean(emb, axis=-2)
    # MLP head: Linear(300,256) -> ReLU -> Linear(256,128) -> ReLU -> Linear(128,n_classes)
    h = jnp.maximum(h @ W1 + b1, 0.0)
    h = jnp.maximum(h @ W2 + b2, 0.0)
    out = h @ W3 + b3
    return out

if __name__ == "__main__":
    import jax
    _d = setup_inputs()
    print(jax.jit(kernel)(*tuple(_d.values())))

</pallas_src>

<mosaic_0001>
#map = affine_map<(d0, d1) -> (0, 0)>
module attributes {stable_mosaic.version = 14 : i64} {
  func.func @_pool_body(%arg0: i32, %arg1: i32, %arg2: memref<8192x100xi32, #tpu.memory_space<hbm>>, %arg3: memref<100000x256xbf16, #tpu.memory_space<hbm>>, %arg4: memref<100000x64xbf16, #tpu.memory_space<hbm>>, %arg5: memref<4096x320xf32, #tpu.memory_space<hbm>>, %arg6: memref<256x100xi32, #tpu.memory_space<vmem>>, %arg7: memref<100x256xbf16, #tpu.memory_space<vmem>>, %arg8: memref<100x256xbf16, #tpu.memory_space<vmem>>, %arg9: memref<100x64xbf16, #tpu.memory_space<vmem>>, %arg10: memref<100x64xbf16, #tpu.memory_space<vmem>>, %arg11: memref<320xf32, #tpu.memory_space<vmem>>, %arg12: memref<!tpu.dma_semaphore, #tpu.memory_space<semaphore_mem>>, %arg13: memref<!tpu.dma_semaphore, #tpu.memory_space<semaphore_mem>>) attributes {dimension_semantics = [#tpu.dimension_semantics<core_parallel>, #tpu.dimension_semantics<subcore_parallel>], iteration_bounds = array<i64: 2, 16>, scalar_prefetch = 0 : i64, scratch_operands = 8 : i64, tpu.core_type = #tpu.core_type<sc_vector_subcore>, window_params = [{transform_indices = #map}, {transform_indices = #map}, {transform_indices = #map}, {transform_indices = #map}]} {
    %mul3A = arith.constant 2 : i32
    %mul3A_0 = arith.muli %arg1, %mul3A : i32
    %add3A = arith.addi %mul3A_0, %arg0 : i32
    %mul3A_1 = arith.constant 256 : i32
    %mul3A_2 = arith.muli %add3A, %mul3A_1 : i32
    "tpu.region"() ({
      %run_scoped3A = tpu.sem_alloc : memref<!tpu.dma_semaphore, #tpu.memory_space<semaphore_mem>>
      %dma_start3A_36 = arith.constant 0 : i32
      %dma_start3A_37 = tpu.memref_slice %arg2[%mul3A_2, %dma_start3A_36] : memref<8192x100xi32, #tpu.memory_space<hbm>> -> memref<256x100xi32, #tpu.memory_space<hbm>>
      %dma_start3A_38 = arith.constant 0 : i32
      %dma_start3A_39 = tpu.memref_slice %arg2[%mul3A_2, %dma_start3A_38] : memref<8192x100xi32, #tpu.memory_space<hbm>> -> memref<256x100xi32, #tpu.memory_space<hbm>>
      tpu.enqueue_dma source(%dma_start3A_39 : memref<256x100xi32, #tpu.memory_space<hbm>>) target(%arg6 : memref<256x100xi32, #tpu.memory_space<vmem>>) target_semaphore(%run_scoped3A : memref<!tpu.dma_semaphore, #tpu.memory_space<semaphore_mem>>)
      %dma_wait3A = arith.constant 0 : i32
      %dma_wait3A_40 = tpu.memref_slice %arg2[%mul3A_2, %dma_wait3A] : memref<8192x100xi32, #tpu.memory_space<hbm>> -> memref<256x100xi32, #tpu.memory_space<hbm>>
      %dma_wait3A_41 = arith.constant 0 : i32
      %dma_wait3A_42 = tpu.memref_slice %arg2[%mul3A_2, %dma_wait3A_41] : memref<8192x100xi32, #tpu.memory_space<hbm>> -> memref<256x100xi32, #tpu.memory_space<hbm>>
      tpu.wait_dma2 semaphore(%run_scoped3A : memref<!tpu.dma_semaphore, #tpu.memory_space<semaphore_mem>>) src(%dma_wait3A_42 : memref<256x100xi32, #tpu.memory_space<hbm>>) dst(%arg6 : memref<256x100xi32, #tpu.memory_space<vmem>>)
      tpu.yield
    }) : () -> ()
    %dma_start3A = arith.constant 0 : i32
    %dma_start3A_3 = arith.constant 0 : i32
    %dma_start3A_4 = tpu.memref_slice %arg6[%dma_start3A, %dma_start3A_3] : memref<256x100xi32, #tpu.memory_space<vmem>> -> memref<1x100xi32, #tpu.memory_space<vmem>>
    %dma_start3A_5 = tpu.memref_squeeze %dma_start3A_4 : memref<1x100xi32, #tpu.memory_space<vmem>> -> memref<100xi32, #tpu.memory_space<vmem>>
    %dma_start3A_6 = arith.constant 0 : i32
    %dma_start3A_7 = arith.constant 0 : i32
    %dma_start3A_8 = tpu.memref_slice %arg3[%dma_start3A_6, %dma_start3A_7] : memref<100000x256xbf16, #tpu.memory_space<hbm>> -> memref<100000x256xbf16, #tpu.memory_space<hbm>>
    tpu.enqueue_indirect_dma source(%dma_start3A_8 : memref<100000x256xbf16, #tpu.memory_space<hbm>>) target(%arg7 : memref<100x256xbf16, #tpu.memory_space<vmem>>) offsets(%dma_start3A_5 : memref<100xi32, #tpu.memory_space<vmem>>) semaphore(%arg12 : memref<!tpu.dma_semaphore, #tpu.memory_space<semaphore_mem>>)
    %dma_start3A_9 = arith.constant 0 : i32
    %dma_start3A_10 = arith.constant 0 : i32
    %dma_start3A_11 = tpu.memref_slice %arg6[%dma_start3A_9, %dma_start3A_10] : memref<256x100xi32, #tpu.memory_space<vmem>> -> memref<1x100xi32, #tpu.memory_space<vmem>>
    %dma_start3A_12 = tpu.memref_squeeze %dma_start3A_11 : memref<1x100xi32, #tpu.memory_space<vmem>> -> memref<100xi32, #tpu.memory_space<vmem>>
    %dma_start3A_13 = arith.constant 0 : i32
    %dma_start3A_14 = arith.constant 0 : i32
    %dma_start3A_15 = tpu.memref_slice %arg4[%dma_start3A_13, %dma_start3A_14] : memref<100000x64xbf16, #tpu.memory_space<hbm>> -> memref<100000x64xbf16, #tpu.memory_space<hbm>>
    tpu.enqueue_indirect_dma source(%dma_start3A_15 : memref<100000x64xbf16, #tpu.memory_space<hbm>>) target(%arg9 : memref<100x64xbf16, #tpu.memory_space<vmem>>) offsets(%dma_start3A_12 : memref<100xi32, #tpu.memory_space<vmem>>) semaphore(%arg12 : memref<!tpu.dma_semaphore, #tpu.memory_space<semaphore_mem>>)
    %dma_start3A_16 = arith.constant 1 : i32
    %dma_start3A_17 = arith.constant 0 : i32
    %dma_start3A_18 = tpu.memref_slice %arg6[%dma_start3A_16, %dma_start3A_17] : memref<256x100xi32, #tpu.memory_space<vmem>> -> memref<1x100xi32, #tpu.memory_space<vmem>>
    %dma_start3A_19 = tpu.memref_squeeze %dma_start3A_18 : memref<1x100xi32, #tpu.memory_space<vmem>> -> memref<100xi32, #tpu.memory_space<vmem>>
    %dma_start3A_20 = arith.constant 0 : i32
    %dma_start3A_21 = arith.constant 0 : i32
    %dma_start3A_22 = tpu.memref_slice %arg3[%dma_start3A_20, %dma_start3A_21] : memref<100000x256xbf16, #tpu.memory_space<hbm>> -> memref<100000x256xbf16, #tpu.memory_space<hbm>>
    tpu.enqueue_indirect_dma source(%dma_start3A_22 : memref<100000x256xbf16, #tpu.memory_space<hbm>>) target(%arg8 : memref<100x256xbf16, #tpu.memory_space<vmem>>) offsets(%dma_start3A_19 : memref<100xi32, #tpu.memory_space<vmem>>) semaphore(%arg13 : memref<!tpu.dma_semaphore, #tpu.memory_space<semaphore_mem>>)
    %dma_start3A_23 = arith.constant 1 : i32
    %dma_start3A_24 = arith.constant 0 : i32
    %dma_start3A_25 = tpu.memref_slice %arg6[%dma_start3A_23, %dma_start3A_24] : memref<256x100xi32, #tpu.memory_space<vmem>> -> memref<1x100xi32, #tpu.memory_space<vmem>>
    %dma_start3A_26 = tpu.memref_squeeze %dma_start3A_25 : memref<1x100xi32, #tpu.memory_space<vmem>> -> memref<100xi32, #tpu.memory_space<vmem>>
    %dma_start3A_27 = arith.constant 0 : i32
    %dma_start3A_28 = arith.constant 0 : i32
    %dma_start3A_29 = tpu.memref_slice %arg4[%dma_start3A_27, %dma_start3A_28] : memref<100000x64xbf16, #tpu.memory_space<hbm>> -> memref<100000x64xbf16, #tpu.memory_space<hbm>>
    tpu.enqueue_indirect_dma source(%dma_start3A_29 : memref<100000x64xbf16, #tpu.memory_space<hbm>>) target(%arg10 : memref<100x64xbf16, #tpu.memory_space<vmem>>) offsets(%dma_start3A_26 : memref<100xi32, #tpu.memory_space<vmem>>) semaphore(%arg13 : memref<!tpu.dma_semaphore, #tpu.memory_space<semaphore_mem>>)
    %broadcast_in_dim3A = arith.constant -65536 : i32
    %broadcast_in_dim3A_30 = vector.broadcast %broadcast_in_dim3A : i32 to vector<16xi32>
    %scan3A = arith.constant 0 : i32
    %scan3A_31 = arith.constant 0 : i32
    %scan3A_32 = arith.constant 128 : i32
    %scan3A_33 = arith.addi %scan3A_31, %scan3A_32 : i32
    %scan3A_34 = arith.constant 1 : i32
    scf.for %scan3A_36 = %scan3A_31 to %scan3A_33 step %scan3A_34  : i32 {
      %mul3A_37 = arith.constant 2 : i32
      %mul3A_38 = arith.muli %mul3A_37, %scan3A_36 : i32
      %broadcast_in_dim3A_39 = arith.constant 0.000000e+00 : f32
      %broadcast_in_dim3A_40 = vector.broadcast %broadcast_in_dim3A_39 : f32 to vector<16xf32>
      %broadcast_in_dim3A_41 = arith.constant 0.000000e+00 : f32
      %broadcast_in_dim3A_42 = vector.broadcast %broadcast_in_dim3A_41 : f32 to vector<16xf32>
      %broadcast_in_dim3A_43 = arith.constant 0.000000e+00 : f32
      %broadcast_in_dim3A_44 = vector.broadcast %broadcast_in_dim3A_43 : f32 to vector<16xf32>
      %broadcast_in_dim3A_45 = arith.constant 0.000000e+00 : f32
      %broadcast_in_dim3A_46 = vector.broadcast %broadcast_in_dim3A_45 : f32 to vector<16xf32>
      %broadcast_in_dim3A_47 = arith.constant 0.000000e+00 : f32
      %broadcast_in_dim3A_48 = vector.broadcast %broadcast_in_dim3A_47 : f32 to vector<16xf32>
      %broadcast_in_dim3A_49 = arith.constant 0.000000e+00 : f32
      %broadcast_in_dim3A_50 = vector.broadcast %broadcast_in_dim3A_49 : f32 to vector<16xf32>
      %broadcast_in_dim3A_51 = arith.constant 0.000000e+00 : f32
      %broadcast_in_dim3A_52 = vector.broadcast %broadcast_in_dim3A_51 : f32 to vector<16xf32>
      %broadcast_in_dim3A_53 = arith.constant 0.000000e+00 : f32
      %broadcast_in_dim3A_54 = vector.broadcast %broadcast_in_dim3A_53 : f32 to vector<16xf32>
      %broadcast_in_dim3A_55 = arith.constant 0.000000e+00 : f32
      %broadcast_in_dim3A_56 = vector.broadcast %broadcast_in_dim3A_55 : f32 to vector<16xf32>
      %broadcast_in_dim3A_57 = arith.constant 0.000000e+00 : f32
      %broadcast_in_dim3A_58 = vector.broadcast %broadcast_in_dim3A_57 : f32 to vector<16xf32>
      %broadcast_in_dim3A_59 = arith.constant 0.000000e+00 : f32
      %broadcast_in_dim3A_60 = vector.broadcast %broadcast_in_dim3A_59 : f32 to vector<16xf32>
      %broadcast_in_dim3A_61 = arith.constant 0.000000e+00 : f32
      %broadcast_in_dim3A_62 = vector.broadcast %broadcast_in_dim3A_61 : f32 to vector<16xf32>
      %broadcast_in_dim3A_63 = arith.constant 0.000000e+00 : f32
      %broadcast_in_dim3A_64 = vector.broadcast %broadcast_in_dim3A_63 : f32 to vector<16xf32>
      %broadcast_in_dim3A_65 = arith.constant 0.000000e+00 : f32
      %broadcast_in_dim3A_66 = vector.broadcast %broadcast_in_dim3A_65 : f32 to vector<16xf32>
      %broadcast_in_dim3A_67 = arith.constant 0.000000e+00 : f32
      %broadcast_in_dim3A_68 = vector.broadcast %broadcast_in_dim3A_67 : f32 to vector<16xf32>
      %broadcast_in_dim3A_69 = arith.constant 0.000000e+00 : f32
      %broadcast_in_dim3A_70 = vector.broadcast %broadcast_in_dim3A_69 : f32 to vector<16xf32>
      %broadcast_in_dim3A_71 = arith.constant 0.000000e+00 : f32
      %broadcast_in_dim3A_72 = vector.broadcast %broadcast_in_dim3A_71 : f32 to vector<16xf32>
      %broadcast_in_dim3A_73 = arith.constant 0.000000e+00 : f32
      %broadcast_in_dim3A_74 = vector.broadcast %broadcast_in_dim3A_73 : f32 to vector<16xf32>
      %broadcast_in_dim3A_75 = arith.constant 0.000000e+00 : f32
      %broadcast_in_dim3A_76 = vector.broadcast %broadcast_in_dim3A_75 : f32 to vector<16xf32>
      %broadcast_in_dim3A_77 = arith.constant 0.000000e+00 : f32
      %broadcast_in_dim3A_78 = vector.broadcast %broadcast_in_dim3A_77 : f32 to vector<16xf32>
      %dma_wait3A = arith.constant 0 : i32
      %dma_wait3A_79 = tpu.memref_slice %arg6[%mul3A_38, %dma_wait3A] : memref<256x100xi32, #tpu.memory_space<vmem>> -> memref<1x100xi32, #tpu.memory_space<vmem>>
      %dma_wait3A_80 = tpu.memref_squeeze %dma_wait3A_79 : memref<1x100xi32, #tpu.memory_space<vmem>> -> memref<100xi32, #tpu.memory_space<vmem>>
      %dma_wait3A_81 = arith.constant 0 : i32
      %dma_wait3A_82 = arith.constant 0 : i32
      %dma_wait3A_83 = tpu.memref_slice %arg3[%dma_wait3A_81, %dma_wait3A_82] : memref<100000x256xbf16, #tpu.memory_space<hbm>> -> memref<100000x256xbf16, #tpu.memory_space<hbm>>
      tpu.wait_indirect_dma semaphore(%arg12 : memref<!tpu.dma_semaphore, #tpu.memory_space<semaphore_mem>>) src(%dma_wait3A_83 : memref<100000x256xbf16, #tpu.memory_space<hbm>>) dst(%arg7 : memref<100x256xbf16, #tpu.memory_space<vmem>>)
      %dma_wait3A_84 = arith.constant 0 : i32
      %dma_wait3A_85 = tpu.memref_slice %arg6[%mul3A_38, %dma_wait3A_84] : memref<256x100xi32, #tpu.memory_space<vmem>> -> memref<1x100xi32, #tpu.memory_space<vmem>>
      %dma_wait3A_86 = tpu.memref_squeeze %dma_wait3A_85 : memref<1x100xi32, #tpu.memory_space<vmem>> -> memref<100xi32, #tpu.memory_space<vmem>>
      %dma_wait3A_87 = arith.constant 0 : i32
      %dma_wait3A_88 = arith.constant 0 : i32
      %dma_wait3A_89 = tpu.memref_slice %arg4[%dma_wait3A_87, %dma_wait3A_88] : memref<100000x64xbf16, #tpu.memory_space<hbm>> -> memref<100000x64xbf16, #tpu.memory_space<hbm>>
      tpu.wait_indirect_dma semaphore(%arg12 : memref<!tpu.dma_semaphore, #tpu.memory_space<semaphore_mem>>) src(%dma_wait3A_89 : memref<100000x64xbf16, #tpu.memory_space<hbm>>) dst(%arg9 : memref<100x64xbf16, #tpu.memory_space<vmem>>)
      %scan3A_90 = arith.constant 0 : i32
      %scan3A_91 = arith.constant 100 : i32
      %scan3A_92 = arith.addi %scan3A_90, %scan3A_91 : i32
      %scan3A_93 = arith.constant 1 : i32
      %scan3A_94:20 = scf.for %scan3A_165 = %scan3A_90 to %scan3A_92 step %scan3A_93 iter_args(%scan3A_166 = %broadcast_in_dim3A_40, %scan3A_167 = %broadcast_in_dim3A_42, %scan3A_168 = %broadcast_in_dim3A_44, %scan3A_169 = %broadcast_in_dim3A_46, %scan3A_170 = %broadcast_in_dim3A_48, %scan3A_171 = %broadcast_in_dim3A_50, %scan3A_172 = %broadcast_in_dim3A_52, %scan3A_173 = %broadcast_in_dim3A_54, %scan3A_174 = %broadcast_in_dim3A_56, %scan3A_175 = %broadcast_in_dim3A_58, %scan3A_176 = %broadcast_in_dim3A_60, %scan3A_177 = %broadcast_in_dim3A_62, %scan3A_178 = %broadcast_in_dim3A_64, %scan3A_179 = %broadcast_in_dim3A_66, %scan3A_180 = %broadcast_in_dim3A_68, %scan3A_181 = %broadcast_in_dim3A_70, %scan3A_182 = %broadcast_in_dim3A_72, %scan3A_183 = %broadcast_in_dim3A_74, %scan3A_184 = %broadcast_in_dim3A_76, %scan3A_185 = %broadcast_in_dim3A_78) -> (vector<16xf32>, vector<16xf32>, vector<16xf32>, vector<16xf32>, vector<16xf32>, vector<16xf32>, vector<16xf32>, vector<16xf32>, vector<16xf32>, vector<16xf32>, vector<16xf32>, vector<16xf32>, vector<16xf32>, vector<16xf32>, vector<16xf32>, vector<16xf32>, vector<16xf32>, vector<16xf32>, vector<16xf32>, vector<16xf32>)  : i32 {
        %get3A = arith.index_cast %scan3A_165 : i32 to index
        %get3A_186 = arith.constant 0 : index
        %get3A_187 = tpu.vector_load %arg7[%get3A, %get3A_186] {strides = array<i32>} : memref<100x256xbf16, #tpu.memory_space<vmem>>, vector<32xbf16>,
        %bitcast3A = vector.bitcast %get3A_187 : vector<32xbf16> to vector<16xi32>
        %shift_left3A = arith.constant 16 : i32
        %shift_left3A_188 = vector.broadcast %shift_left3A : i32 to vector<16xi32>
        %shift_left3A_189 = arith.shli %bitcast3A, %shift_left3A_188 : vector<16xi32>
        %bitcast3A_190 = vector.bitcast %shift_left3A_189 : vector<16xi32> to vector<16xf32>
        %and3A = arith.andi %bitcast3A, %broadcast_in_dim3A_30 : vector<16xi32>
        %bitcast3A_191 = vector.bitcast %and3A : vector<16xi32> to vector<16xf32>
        %add3A_192 = arith.addf %scan3A_166, %bitcast3A_190 : vector<16xf32>
        %add3A_193 = arith.addf %scan3A_167, %bitcast3A_191 : vector<16xf32>
        %get3A_194 = arith.index_cast %scan3A_165 : i32 to index
        %get3A_195 = arith.constant 32 : index
        %get3A_196 = tpu.vector_load %arg7[%get3A_194, %get3A_195] {strides = array<i32>} : memref<100x256xbf16, #tpu.memory_space<vmem>>, vector<32xbf16>,
        %bitcast3A_197 = vector.bitcast %get3A_196 : vector<32xbf16> to vector<16xi32>
        %shift_left3A_198 = arith.constant 16 : i32
        %shift_left3A_199 = vector.broadcast %shift_left3A_198 : i32 to vector<16xi32>
        %shift_left3A_200 = arith.shli %bitcast3A_197, %shift_left3A_199 : vector<16xi32>
        %bitcast3A_201 = vector.bitcast %shift_left3A_200 : vector<16xi32> to vector<16xf32>
        %and3A_202 = arith.andi %bitcast3A_197, %broadcast_in_dim3A_30 : vector<16xi32>
        %bitcast3A_203 = vector.bitcast %and3A_202 : vector<16xi32> to vector<16xf32>
        %add3A_204 = arith.addf %scan3A_168, %bitcast3A_201 : vector<16xf32>
        %add3A_205 = arith.addf %scan3A_169, %bitcast3A_203 : vector<16xf32>
        %get3A_206 = arith.index_cast %scan3A_165 : i32 to index
        %get3A_207 = arith.constant 64 : index
        %get3A_208 = tpu.vector_load %arg7[%get3A_206, %get3A_207] {strides = array<i32>} : memref<100x256xbf16, #tpu.memory_space<vmem>>, vector<32xbf16>,
        %bitcast3A_209 = vector.bitcast %get3A_208 : vector<32xbf16> to vector<16xi32>
        %shift_left3A_210 = arith.constant 16 : i32
        %shift_left3A_211 = vector.broadcast %shift_left3A_210 : i32 to vector<16xi32>
        %shift_left3A_212 = arith.shli %bitcast3A_209, %shift_left3A_211 : vector<16xi32>
        %bitcast3A_213 = vector.bitcast %shift_left3A_212 : vector<16xi32> to vector<16xf32>
        %and3A_214 = arith.andi %bitcast3A_209, %broadcast_in_dim3A_30 : vector<16xi32>
        %bitcast3A_215 = vector.bitcast %and3A_214 : vector<16xi32> to vector<16xf32>
        %add3A_216 = arith.addf %scan3A_170, %bitcast3A_213 : vector<16xf32>
        %add3A_217 = arith.addf %scan3A_171, %bitcast3A_215 : vector<16xf32>
        %get3A_218 = arith.index_cast %scan3A_165 : i32 to index
        %get3A_219 = arith.constant 96 : index
        %get3A_220 = tpu.vector_load %arg7[%get3A_218, %get3A_219] {strides = array<i32>} : memref<100x256xbf16, #tpu.memory_space<vmem>>, vector<32xbf16>,
        %bitcast3A_221 = vector.bitcast %get3A_220 : vector<32xbf16> to vector<16xi32>
        %shift_left3A_222 = arith.constant 16 : i32
        %shift_left3A_223 = vector.broadcast %shift_left3A_222 : i32 to vector<16xi32>
        %shift_left3A_224 = arith.shli %bitcast3A_221, %shift_left3A_223 : vector<16xi32>
        %bitcast3A_225 = vector.bitcast %shift_left3A_224 : vector<16xi32> to vector<16xf32>
        %and3A_226 = arith.andi %bitcast3A_221, %broadcast_in_dim3A_30 : vector<16xi32>
        %bitcast3A_227 = vector.bitcast %and3A_226 : vector<16xi32> to vector<16xf32>
        %add3A_228 = arith.addf %scan3A_172, %bitcast3A_225 : vector<16xf32>
        %add3A_229 = arith.addf %scan3A_173, %bitcast3A_227 : vector<16xf32>
        %get3A_230 = arith.index_cast %scan3A_165 : i32 to index
        %get3A_231 = arith.constant 128 : index
        %get3A_232 = tpu.vector_load %arg7[%get3A_230, %get3A_231] {strides = array<i32>} : memref<100x256xbf16, #tpu.memory_space<vmem>>, vector<32xbf16>,
        %bitcast3A_233 = vector.bitcast %get3A_232 : vector<32xbf16> to vector<16xi32>
        %shift_left3A_234 = arith.constant 16 : i32
        %shift_left3A_235 = vector.broadcast %shift_left3A_234 : i32 to vector<16xi32>
        %shift_left3A_236 = arith.shli %bitcast3A_233, %shift_left3A_235 : vector<16xi32>
        %bitcast3A_237 = vector.bitcast %shift_left3A_236 : vector<16xi32> to vector<16xf32>
        %and3A_238 = arith.andi %bitcast3A_233, %broadcast_in_dim3A_30 : vector<16xi32>
        %bitcast3A_239 = vector.bitcast %and3A_238 : vector<16xi32> to vector<16xf32>
        %add3A_240 = arith.addf %scan3A_174, %bitcast3A_237 : vector<16xf32>
        %add3A_241 = arith.addf %scan3A_175, %bitcast3A_239 : vector<16xf32>
        %get3A_242 = arith.index_cast %scan3A_165 : i32 to index
        %get3A_243 = arith.constant 160 : index
        %get3A_244 = tpu.vector_load %arg7[%get3A_242, %get3A_243] {strides = array<i32>} : memref<100x256xbf16, #tpu.memory_space<vmem>>, vector<32xbf16>,
        %bitcast3A_245 = vector.bitcast %get3A_244 : vector<32xbf16> to vector<16xi32>
        %shift_left3A_246 = arith.constant 16 : i32
        %shift_left3A_247 = vector.broadcast %shift_left3A_246 : i32 to vector<16xi32>
        %shift_left3A_248 = arith.shli %bitcast3A_245, %shift_left3A_247 : vector<16xi32>
        %bitcast3A_249 = vector.bitcast %shift_left3A_248 : vector<16xi32> to vector<16xf32>
        %and3A_250 = arith.andi %bitcast3A_245, %broadcast_in_dim3A_30 : vector<16xi32>
        %bitcast3A_251 = vector.bitcast %and3A_250 : vector<16xi32> to vector<16xf32>
        %add3A_252 = arith.addf %scan3A_176, %bitcast3A_249 : vector<16xf32>
        %add3A_253 = arith.addf %scan3A_177, %bitcast3A_251 : vector<16xf32>
        %get3A_254 = arith.index_cast %scan3A_165 : i32 to index
        %get3A_255 = arith.constant 192 : index
        %get3A_256 = tpu.vector_load %arg7[%get3A_254, %get3A_255] {strides = array<i32>} : memref<100x256xbf16, #tpu.memory_space<vmem>>, vector<32xbf16>,
        %bitcast3A_257 = vector.bitcast %get3A_256 : vector<32xbf16> to vector<16xi32>
        %shift_left3A_258 = arith.constant 16 : i32
        %shift_left3A_259 = vector.broadcast %shift_left3A_258 : i32 to vector<16xi32>
        %shift_left3A_260 = arith.shli %bitcast3A_257, %shift_left3A_259 : vector<16xi32>
        %bitcast3A_261 = vector.bitcast %shift_left3A_260 : vector<16xi32> to vector<16xf32>
        %and3A_262 = arith.andi %bitcast3A_257, %broadcast_in_dim3A_30 : vector<16xi32>
        %bitcast3A_263 = vector.bitcast %and3A_262 : vector<16xi32> to vector<16xf32>
        %add3A_264 = arith.addf %scan3A_178, %bitcast3A_261 : vector<16xf32>
        %add3A_265 = arith.addf %scan3A_179, %bitcast3A_263 : vector<16xf32>
        %get3A_266 = arith.index_cast %scan3A_165 : i32 to index
        %get3A_267 = arith.constant 224 : index
        %get3A_268 = tpu.vector_load %arg7[%get3A_266, %get3A_267] {strides = array<i32>} : memref<100x256xbf16, #tpu.memory_space<vmem>>, vector<32xbf16>,
        %bitcast3A_269 = vector.bitcast %get3A_268 : vector<32xbf16> to vector<16xi32>
        %shift_left3A_270 = arith.constant 16 : i32
        %shift_left3A_271 = vector.broadcast %shift_left3A_270 : i32 to vector<16xi32>
        %shift_left3A_272 = arith.shli %bitcast3A_269, %shift_left3A_271 : vector<16xi32>
        %bitcast3A_273 = vector.bitcast %shift_left3A_272 : vector<16xi32> to vector<16xf32>
        %and3A_274 = arith.andi %bitcast3A_269, %broadcast_in_dim3A_30 : vector<16xi32>
        %bitcast3A_275 = vector.bitcast %and3A_274 : vector<16xi32> to vector<16xf32>
        %add3A_276 = arith.addf %scan3A_180, %bitcast3A_273 : vector<16xf32>
        %add3A_277 = arith.addf %scan3A_181, %bitcast3A_275 : vector<16xf32>
        %get3A_278 = arith.index_cast %scan3A_165 : i32 to index
        %get3A_279 = arith.constant 0 : index
        %get3A_280 = tpu.vector_load %arg9[%get3A_278, %get3A_279] {strides = array<i32>} : memref<100x64xbf16, #tpu.memory_space<vmem>>, vector<32xbf16>,
        %bitcast3A_281 = vector.bitcast %get3A_280 : vector<32xbf16> to vector<16xi32>
        %shift_left3A_282 = arith.constant 16 : i32
        %shift_left3A_283 = vector.broadcast %shift_left3A_282 : i32 to vector<16xi32>
        %shift_left3A_284 = arith.shli %bitcast3A_281, %shift_left3A_283 : vector<16xi32>
        %bitcast3A_285 = vector.bitcast %shift_left3A_284 : vector<16xi32> to vector<16xf32>
        %and3A_286 = arith.andi %bitcast3A_281, %broadcast_in_dim3A_30 : vector<16xi32>
        %bitcast3A_287 = vector.bitcast %and3A_286 : vector<16xi32> to vector<16xf32>
        %add3A_288 = arith.addf %scan3A_182, %bitcast3A_285 : vector<16xf32>
        %add3A_289 = arith.addf %scan3A_183, %bitcast3A_287 : vector<16xf32>
        %get3A_290 = arith.index_cast %scan3A_165 : i32 to index
        %get3A_291 = arith.constant 32 : index
        %get3A_292 = tpu.vector_load %arg9[%get3A_290, %get3A_291] {strides = array<i32>} : memref<100x64xbf16, #tpu.memory_space<vmem>>, vector<32xbf16>,
        %bitcast3A_293 = vector.bitcast %get3A_292 : vector<32xbf16> to vector<16xi32>
        %shift_left3A_294 = arith.constant 16 : i32
        %shift_left3A_295 = vector.broadcast %shift_left3A_294 : i32 to vector<16xi32>
        %shift_left3A_296 = arith.shli %bitcast3A_293, %shift_left3A_295 : vector<16xi32>
        %bitcast3A_297 = vector.bitcast %shift_left3A_296 : vector<16xi32> to vector<16xf32>
        %and3A_298 = arith.andi %bitcast3A_293, %broadcast_in_dim3A_30 : vector<16xi32>
        %bitcast3A_299 = vector.bitcast %and3A_298 : vector<16xi32> to vector<16xf32>
        %add3A_300 = arith.addf %scan3A_184, %bitcast3A_297 : vector<16xf32>
        %add3A_301 = arith.addf %scan3A_185, %bitcast3A_299 : vector<16xf32>
        scf.yield %add3A_192, %add3A_193, %add3A_204, %add3A_205, %add3A_216, %add3A_217, %add3A_228, %add3A_229, %add3A_240, %add3A_241, %add3A_252, %add3A_253, %add3A_264, %add3A_265, %add3A_276, %add3A_277, %add3A_288, %add3A_289, %add3A_300, %add3A_301 : vector<16xf32>, vector<16xf32>, vector<16xf32>, vector<16xf32>, vector<16xf32>, vector<16xf32>, vector<16xf32>, vector<16xf32>, vector<16xf32>, vector<16xf32>, vector<16xf32>, vector<16xf32>, vector<16xf32>, vector<16xf32>, vector<16xf32>, vector<16xf32>, vector<16xf32>, vector<16xf32>, vector<16xf32>, vector<16xf32>
      }
      %scan3A_95 = arith.constant 100 : i32
      %lt3A = arith.constant 127 : i32
      %lt3A_96 = arith.cmpi slt, %scan3A_36, %lt3A : i32
      %convert_element_type3A = arith.extui %lt3A_96 : i1 to i32
      %cond3A = arith.constant 0 : i32
      %cond3A_97 = arith.cmpi ne, %convert_element_type3A, %cond3A : i32
      scf.if %cond3A_97 {
        %add3A_165 = arith.constant 2 : i32
        %add3A_166 = arith.addi %mul3A_38, %add3A_165 : i32
        %dma_start3A_167 = arith.constant 0 : i32
        %dma_start3A_168 = tpu.memref_slice %arg6[%add3A_166, %dma_start3A_167] : memref<256x100xi32, #tpu.memory_space<vmem>> -> memref<1x100xi32, #tpu.memory_space<vmem>>
        %dma_start3A_169 = tpu.memref_squeeze %dma_start3A_168 : memref<1x100xi32, #tpu.memory_space<vmem>> -> memref<100xi32, #tpu.memory_space<vmem>>
        %dma_start3A_170 = arith.constant 0 : i32
        %dma_start3A_171 = arith.constant 0 : i32
        %dma_start3A_172 = tpu.memref_slice %arg3[%dma_start3A_170, %dma_start3A_171] : memref<100000x256xbf16, #tpu.memory_space<hbm>> -> memref<100000x256xbf16, #tpu.memory_space<hbm>>
        tpu.enqueue_indirect_dma source(%dma_start3A_172 : memref<100000x256xbf16, #tpu.memory_space<hbm>>) target(%arg7 : memref<100x256xbf16, #tpu.memory_space<vmem>>) offsets(%dma_start3A_169 : memref<100xi32, #tpu.memory_space<vmem>>) semaphore(%arg12 : memref<!tpu.dma_semaphore, #tpu.memory_space<semaphore_mem>>)
        %add3A_173 = arith.constant 2 : i32
        %add3A_174 = arith.addi %mul3A_38, %add3A_173 : i32
        %dma_start3A_175 = arith.constant 0 : i32
        %dma_start3A_176 = tpu.memref_slice %arg6[%add3A_174, %dma_start3A_175] : memref<256x100xi32, #tpu.memory_space<vmem>> -> memref<1x100xi32, #tpu.memory_space<vmem>>
        %dma_start3A_177 = tpu.memref_squeeze %dma_start3A_176 : memref<1x100xi32, #tpu.memory_space<vmem>> -> memref<100xi32, #tpu.memory_space<vmem>>
        %dma_start3A_178 = arith.constant 0 : i32
        %dma_start3A_179 = arith.constant 0 : i32
        %dma_start3A_180 = tpu.memref_slice %arg4[%dma_start3A_178, %dma_start3A_179] : memref<100000x64xbf16, #tpu.memory_space<hbm>> -> memref<100000x64xbf16, #tpu.memory_space<hbm>>
        tpu.enqueue_indirect_dma source(%dma_start3A_180 : memref<100000x64xbf16, #tpu.memory_space<hbm>>) target(%arg9 : memref<100x64xbf16, #tpu.memory_space<vmem>>) offsets(%dma_start3A_177 : memref<100xi32, #tpu.memory_space<vmem>>) semaphore(%arg12 : memref<!tpu.dma_semaphore, #tpu.memory_space<semaphore_mem>>)
      } else {
      }
      %add3A_98 = arith.constant 1 : i32
      %add3A_99 = arith.addi %mul3A_38, %add3A_98 : i32
      %dma_wait3A_100 = arith.constant 0 : i32
      %dma_wait3A_101 = tpu.memref_slice %arg6[%add3A_99, %dma_wait3A_100] : memref<256x100xi32, #tpu.memory_space<vmem>> -> memref<1x100xi32, #tpu.memory_space<vmem>>
      %dma_wait3A_102 = tpu.memref_squeeze %dma_wait3A_101 : memref<1x100xi32, #tpu.memory_space<vmem>> -> memref<100xi32, #tpu.memory_space<vmem>>
      %dma_wait3A_103 = arith.constant 0 : i32
      %dma_wait3A_104 = arith.constant 0 : i32
      %dma_wait3A_105 = tpu.memref_slice %arg3[%dma_wait3A_103, %dma_wait3A_104] : memref<100000x256xbf16, #tpu.memory_space<hbm>> -> memref<100000x256xbf16, #tpu.memory_space<hbm>>
      tpu.wait_indirect_dma semaphore(%arg13 : memref<!tpu.dma_semaphore, #tpu.memory_space<semaphore_mem>>) src(%dma_wait3A_105 : memref<100000x256xbf16, #tpu.memory_space<hbm>>) dst(%arg8 : memref<100x256xbf16, #tpu.memory_space<vmem>>)
      %dma_wait3A_106 = arith.constant 0 : i32
      %dma_wait3A_107 = tpu.memref_slice %arg6[%add3A_99, %dma_wait3A_106] : memref<256x100xi32, #tpu.memory_space<vmem>> -> memref<1x100xi32, #tpu.memory_space<vmem>>
      %dma_wait3A_108 = tpu.memref_squeeze %dma_wait3A_107 : memref<1x100xi32, #tpu.memory_space<vmem>> -> memref<100xi32, #tpu.memory_space<vmem>>
      %dma_wait3A_109 = arith.constant 0 : i32
      %dma_wait3A_110 = arith.constant 0 : i32
      %dma_wait3A_111 = tpu.memref_slice %arg4[%dma_wait3A_109, %dma_wait3A_110] : memref<100000x64xbf16, #tpu.memory_space<hbm>> -> memref<100000x64xbf16, #tpu.memory_space<hbm>>
      tpu.wait_indirect_dma semaphore(%arg13 : memref<!tpu.dma_semaphore, #tpu.memory_space<semaphore_mem>>) src(%dma_wait3A_111 : memref<100000x64xbf16, #tpu.memory_space<hbm>>) dst(%arg10 : memref<100x64xbf16, #tpu.memory_space<vmem>>)
      %scan3A_112 = arith.constant 0 : i32
      %scan3A_113 = arith.constant 100 : i32
      %scan3A_114 = arith.addi %scan3A_112, %scan3A_113 : i32
      %scan3A_115 = arith.constant 1 : i32
      %scan3A_116:20 = scf.for %scan3A_165 = %scan3A_112 to %scan3A_114 step %scan3A_115 iter_args(%scan3A_166 = %scan3A_94#0, %scan3A_167 = %scan3A_94#1, %scan3A_168 = %scan3A_94#2, %scan3A_169 = %scan3A_94#3, %scan3A_170 = %scan3A_94#4, %scan3A_171 = %scan3A_94#5, %scan3A_172 = %scan3A_94#6, %scan3A_173 = %scan3A_94#7, %scan3A_174 = %scan3A_94#8, %scan3A_175 = %scan3A_94#9, %scan3A_176 = %scan3A_94#10, %scan3A_177 = %scan3A_94#11, %scan3A_178 = %scan3A_94#12, %scan3A_179 = %scan3A_94#13, %scan3A_180 = %scan3A_94#14, %scan3A_181 = %scan3A_94#15, %scan3A_182 = %scan3A_94#16, %scan3A_183 = %scan3A_94#17, %scan3A_184 = %scan3A_94#18, %scan3A_185 = %scan3A_94#19) -> (vector<16xf32>, vector<16xf32>, vector<16xf32>, vector<16xf32>, vector<16xf32>, vector<16xf32>, vector<16xf32>, vector<16xf32>, vector<16xf32>, vector<16xf32>, vector<16xf32>, vector<16xf32>, vector<16xf32>, vector<16xf32>, vector<16xf32>, vector<16xf32>, vector<16xf32>, vector<16xf32>, vector<16xf32>, vector<16xf32>)  : i32 {
        %get3A = arith.index_cast %scan3A_165 : i32 to index
        %get3A_186 = arith.constant 0 : index
        %get3A_187 = tpu.vector_load %arg8[%get3A, %get3A_186] {strides = array<i32>} : memref<100x256xbf16, #tpu.memory_space<vmem>>, vector<32xbf16>,
        %bitcast3A = vector.bitcast %get3A_187 : vector<32xbf16> to vector<16xi32>
        %shift_left3A = arith.constant 16 : i32
        %shift_left3A_188 = vector.broadcast %shift_left3A : i32 to vector<16xi32>
        %shift_left3A_189 = arith.shli %bitcast3A, %shift_left3A_188 : vector<16xi32>
        %bitcast3A_190 = vector.bitcast %shift_left3A_189 : vector<16xi32> to vector<16xf32>
        %and3A = arith.andi %bitcast3A, %broadcast_in_dim3A_30 : vector<16xi32>
        %bitcast3A_191 = vector.bitcast %and3A : vector<16xi32> to vector<16xf32>
        %add3A_192 = arith.addf %scan3A_166, %bitcast3A_190 : vector<16xf32>
        %add3A_193 = arith.addf %scan3A_167, %bitcast3A_191 : vector<16xf32>
        %get3A_194 = arith.index_cast %scan3A_165 : i32 to index
        %get3A_195 = arith.constant 32 : index
        %get3A_196 = tpu.vector_load %arg8[%get3A_194, %get3A_195] {strides = array<i32>} : memref<100x256xbf16, #tpu.memory_space<vmem>>, vector<32xbf16>,
        %bitcast3A_197 = vector.bitcast %get3A_196 : vector<32xbf16> to vector<16xi32>
        %shift_left3A_198 = arith.constant 16 : i32
        %shift_left3A_199 = vector.broadcast %shift_left3A_198 : i32 to vector<16xi32>
        %shift_left3A_200 = arith.shli %bitcast3A_197, %shift_left3A_199 : vector<16xi32>
        %bitcast3A_201 = vector.bitcast %shift_left3A_200 : vector<16xi32> to vector<16xf32>
        %and3A_202 = arith.andi %bitcast3A_197, %broadcast_in_dim3A_30 : vector<16xi32>
        %bitcast3A_203 = vector.bitcast %and3A_202 : vector<16xi32> to vector<16xf32>
        %add3A_204 = arith.addf %scan3A_168, %bitcast3A_201 : vector<16xf32>
        %add3A_205 = arith.addf %scan3A_169, %bitcast3A_203 : vector<16xf32>
        %get3A_206 = arith.index_cast %scan3A_165 : i32 to index
        %get3A_207 = arith.constant 64 : index
        %get3A_208 = tpu.vector_load %arg8[%get3A_206, %get3A_207] {strides = array<i32>} : memref<100x256xbf16, #tpu.memory_space<vmem>>, vector<32xbf16>,
        %bitcast3A_209 = vector.bitcast %get3A_208 : vector<32xbf16> to vector<16xi32>
        %shift_left3A_210 = arith.constant 16 : i32
        %shift_left3A_211 = vector.broadcast %shift_left3A_210 : i32 to vector<16xi32>
        %shift_left3A_212 = arith.shli %bitcast3A_209, %shift_left3A_211 : vector<16xi32>
        %bitcast3A_213 = vector.bitcast %shift_left3A_212 : vector<16xi32> to vector<16xf32>
        %and3A_214 = arith.andi %bitcast3A_209, %broadcast_in_dim3A_30 : vector<16xi32>
        %bitcast3A_215 = vector.bitcast %and3A_214 : vector<16xi32> to vector<16xf32>
        %add3A_216 = arith.addf %scan3A_170, %bitcast3A_213 : vector<16xf32>
        %add3A_217 = arith.addf %scan3A_171, %bitcast3A_215 : vector<16xf32>
        %get3A_218 = arith.index_cast %scan3A_165 : i32 to index
        %get3A_219 = arith.constant 96 : index
        %get3A_220 = tpu.vector_load %arg8[%get3A_218, %get3A_219] {strides = array<i32>} : memref<100x256xbf16, #tpu.memory_space<vmem>>, vector<32xbf16>,
        %bitcast3A_221 = vector.bitcast %get3A_220 : vector<32xbf16> to vector<16xi32>
        %shift_left3A_222 = arith.constant 16 : i32
        %shift_left3A_223 = vector.broadcast %shift_left3A_222 : i32 to vector<16xi32>
        %shift_left3A_224 = arith.shli %bitcast3A_221, %shift_left3A_223 : vector<16xi32>
        %bitcast3A_225 = vector.bitcast %shift_left3A_224 : vector<16xi32> to vector<16xf32>
        %and3A_226 = arith.andi %bitcast3A_221, %broadcast_in_dim3A_30 : vector<16xi32>
        %bitcast3A_227 = vector.bitcast %and3A_226 : vector<16xi32> to vector<16xf32>
        %add3A_228 = arith.addf %scan3A_172, %bitcast3A_225 : vector<16xf32>
        %add3A_229 = arith.addf %scan3A_173, %bitcast3A_227 : vector<16xf32>
        %get3A_230 = arith.index_cast %scan3A_165 : i32 to index
        %get3A_231 = arith.constant 128 : index
        %get3A_232 = tpu.vector_load %arg8[%get3A_230, %get3A_231] {strides = array<i32>} : memref<100x256xbf16, #tpu.memory_space<vmem>>, vector<32xbf16>,
        %bitcast3A_233 = vector.bitcast %get3A_232 : vector<32xbf16> to vector<16xi32>
        %shift_left3A_234 = arith.constant 16 : i32
        %shift_left3A_235 = vector.broadcast %shift_left3A_234 : i32 to vector<16xi32>
        %shift_left3A_236 = arith.shli %bitcast3A_233, %shift_left3A_235 : vector<16xi32>
        %bitcast3A_237 = vector.bitcast %shift_left3A_236 : vector<16xi32> to vector<16xf32>
        %and3A_238 = arith.andi %bitcast3A_233, %broadcast_in_dim3A_30 : vector<16xi32>
        %bitcast3A_239 = vector.bitcast %and3A_238 : vector<16xi32> to vector<16xf32>
        %add3A_240 = arith.addf %scan3A_174, %bitcast3A_237 : vector<16xf32>
        %add3A_241 = arith.addf %scan3A_175, %bitcast3A_239 : vector<16xf32>
        %get3A_242 = arith.index_cast %scan3A_165 : i32 to index
        %get3A_243 = arith.constant 160 : index
        %get3A_244 = tpu.vector_load %arg8[%get3A_242, %get3A_243] {strides = array<i32>} : memref<100x256xbf16, #tpu.memory_space<vmem>>, vector<32xbf16>,
        %bitcast3A_245 = vector.bitcast %get3A_244 : vector<32xbf16> to vector<16xi32>
        %shift_left3A_246 = arith.constant 16 : i32
        %shift_left3A_247 = vector.broadcast %shift_left3A_246 : i32 to vector<16xi32>
        %shift_left3A_248 = arith.shli %bitcast3A_245, %shift_left3A_247 : vector<16xi32>
        %bitcast3A_249 = vector.bitcast %shift_left3A_248 : vector<16xi32> to vector<16xf32>
        %and3A_250 = arith.andi %bitcast3A_245, %broadcast_in_dim3A_30 : vector<16xi32>
        %bitcast3A_251 = vector.bitcast %and3A_250 : vector<16xi32> to vector<16xf32>
        %add3A_252 = arith.addf %scan3A_176, %bitcast3A_249 : vector<16xf32>
        %add3A_253 = arith.addf %scan3A_177, %bitcast3A_251 : vector<16xf32>
        %get3A_254 = arith.index_cast %scan3A_165 : i32 to index
        %get3A_255 = arith.constant 192 : index
        %get3A_256 = tpu.vector_load %arg8[%get3A_254, %get3A_255] {strides = array<i32>} : memref<100x256xbf16, #tpu.memory_space<vmem>>, vector<32xbf16>,
        %bitcast3A_257 = vector.bitcast %get3A_256 : vector<32xbf16> to vector<16xi32>
        %shift_left3A_258 = arith.constant 16 : i32
        %shift_left3A_259 = vector.broadcast %shift_left3A_258 : i32 to vector<16xi32>
        %shift_left3A_260 = arith.shli %bitcast3A_257, %shift_left3A_259 : vector<16xi32>
        %bitcast3A_261 = vector.bitcast %shift_left3A_260 : vector<16xi32> to vector<16xf32>
        %and3A_262 = arith.andi %bitcast3A_257, %broadcast_in_dim3A_30 : vector<16xi32>
        %bitcast3A_263 = vector.bitcast %and3A_262 : vector<16xi32> to vector<16xf32>
        %add3A_264 = arith.addf %scan3A_178, %bitcast3A_261 : vector<16xf32>
        %add3A_265 = arith.addf %scan3A_179, %bitcast3A_263 : vector<16xf32>
        %get3A_266 = arith.index_cast %scan3A_165 : i32 to index
        %get3A_267 = arith.constant 224 : index
        %get3A_268 = tpu.vector_load %arg8[%get3A_266, %get3A_267] {strides = array<i32>} : memref<100x256xbf16, #tpu.memory_space<vmem>>, vector<32xbf16>,
        %bitcast3A_269 = vector.bitcast %get3A_268 : vector<32xbf16> to vector<16xi32>
        %shift_left3A_270 = arith.constant 16 : i32
        %shift_left3A_271 = vector.broadcast %shift_left3A_270 : i32 to vector<16xi32>
        %shift_left3A_272 = arith.shli %bitcast3A_269, %shift_left3A_271 : vector<16xi32>
        %bitcast3A_273 = vector.bitcast %shift_left3A_272 : vector<16xi32> to vector<16xf32>
        %and3A_274 = arith.andi %bitcast3A_269, %broadcast_in_dim3A_30 : vector<16xi32>
        %bitcast3A_275 = vector.bitcast %and3A_274 : vector<16xi32> to vector<16xf32>
        %add3A_276 = arith.addf %scan3A_180, %bitcast3A_273 : vector<16xf32>
        %add3A_277 = arith.addf %scan3A_181, %bitcast3A_275 : vector<16xf32>
        %get3A_278 = arith.index_cast %scan3A_165 : i32 to index
        %get3A_279 = arith.constant 0 : index
        %get3A_280 = tpu.vector_load %arg10[%get3A_278, %get3A_279] {strides = array<i32>} : memref<100x64xbf16, #tpu.memory_space<vmem>>, vector<32xbf16>,
        %bitcast3A_281 = vector.bitcast %get3A_280 : vector<32xbf16> to vector<16xi32>
        %shift_left3A_282 = arith.constant 16 : i32
        %shift_left3A_283 = vector.broadcast %shift_left3A_282 : i32 to vector<16xi32>
        %shift_left3A_284 = arith.shli %bitcast3A_281, %shift_left3A_283 : vector<16xi32>
        %bitcast3A_285 = vector.bitcast %shift_left3A_284 : vector<16xi32> to vector<16xf32>
        %and3A_286 = arith.andi %bitcast3A_281, %broadcast_in_dim3A_30 : vector<16xi32>
        %bitcast3A_287 = vector.bitcast %and3A_286 : vector<16xi32> to vector<16xf32>
        %add3A_288 = arith.addf %scan3A_182, %bitcast3A_285 : vector<16xf32>
        %add3A_289 = arith.addf %scan3A_183, %bitcast3A_287 : vector<16xf32>
        %get3A_290 = arith.index_cast %scan3A_165 : i32 to index
        %get3A_291 = arith.constant 32 : index
        %get3A_292 = tpu.vector_load %arg10[%get3A_290, %get3A_291] {strides = array<i32>} : memref<100x64xbf16, #tpu.memory_space<vmem>>, vector<32xbf16>,
        %bitcast3A_293 = vector.bitcast %get3A_292 : vector<32xbf16> to vector<16xi32>
        %shift_left3A_294 = arith.constant 16 : i32
        %shift_left3A_295 = vector.broadcast %shift_left3A_294 : i32 to vector<16xi32>
        %shift_left3A_296 = arith.shli %bitcast3A_293, %shift_left3A_295 : vector<16xi32>
        %bitcast3A_297 = vector.bitcast %shift_left3A_296 : vector<16xi32> to vector<16xf32>
        %and3A_298 = arith.andi %bitcast3A_293, %broadcast_in_dim3A_30 : vector<16xi32>
        %bitcast3A_299 = vector.bitcast %and3A_298 : vector<16xi32> to vector<16xf32>
        %add3A_300 = arith.addf %scan3A_184, %bitcast3A_297 : vector<16xf32>
        %add3A_301 = arith.addf %scan3A_185, %bitcast3A_299 : vector<16xf32>
        scf.yield %add3A_192, %add3A_193, %add3A_204, %add3A_205, %add3A_216, %add3A_217, %add3A_228, %add3A_229, %add3A_240, %add3A_241, %add3A_252, %add3A_253, %add3A_264, %add3A_265, %add3A_276, %add3A_277, %add3A_288, %add3A_289, %add3A_300, %add3A_301 : vector<16xf32>, vector<16xf32>, vector<16xf32>, vector<16xf32>, vector<16xf32>, vector<16xf32>, vector<16xf32>, vector<16xf32>, vector<16xf32>, vector<16xf32>, vector<16xf32>, vector<16xf32>, vector<16xf32>, vector<16xf32>, vector<16xf32>, vector<16xf32>, vector<16xf32>, vector<16xf32>, vector<16xf32>, vector<16xf32>
      }
      %scan3A_117 = arith.constant 100 : i32
      %lt3A_118 = arith.constant 127 : i32
      %lt3A_119 = arith.cmpi slt, %scan3A_36, %lt3A_118 : i32
      %convert_element_type3A_120 = arith.extui %lt3A_119 : i1 to i32
      %cond3A_121 = arith.constant 0 : i32
      %cond3A_122 = arith.cmpi ne, %convert_element_type3A_120, %cond3A_121 : i32
      scf.if %cond3A_122 {
        %add3A_165 = arith.constant 3 : i32
        %add3A_166 = arith.addi %mul3A_38, %add3A_165 : i32
        %dma_start3A_167 = arith.constant 0 : i32
        %dma_start3A_168 = tpu.memref_slice %arg6[%add3A_166, %dma_start3A_167] : memref<256x100xi32, #tpu.memory_space<vmem>> -> memref<1x100xi32, #tpu.memory_space<vmem>>
        %dma_start3A_169 = tpu.memref_squeeze %dma_start3A_168 : memref<1x100xi32, #tpu.memory_space<vmem>> -> memref<100xi32, #tpu.memory_space<vmem>>
        %dma_start3A_170 = arith.constant 0 : i32
        %dma_start3A_171 = arith.constant 0 : i32
        %dma_start3A_172 = tpu.memref_slice %arg3[%dma_start3A_170, %dma_start3A_171] : memref<100000x256xbf16, #tpu.memory_space<hbm>> -> memref<100000x256xbf16, #tpu.memory_space<hbm>>
        tpu.enqueue_indirect_dma source(%dma_start3A_172 : memref<100000x256xbf16, #tpu.memory_space<hbm>>) target(%arg8 : memref<100x256xbf16, #tpu.memory_space<vmem>>) offsets(%dma_start3A_169 : memref<100xi32, #tpu.memory_space<vmem>>) semaphore(%arg13 : memref<!tpu.dma_semaphore, #tpu.memory_space<semaphore_mem>>)
        %add3A_173 = arith.constant 3 : i32
        %add3A_174 = arith.addi %mul3A_38, %add3A_173 : i32
        %dma_start3A_175 = arith.constant 0 : i32
        %dma_start3A_176 = tpu.memref_slice %arg6[%add3A_174, %dma_start3A_175] : memref<256x100xi32, #tpu.memory_space<vmem>> -> memref<1x100xi32, #tpu.memory_space<vmem>>
        %dma_start3A_177 = tpu.memref_squeeze %dma_start3A_176 : memref<1x100xi32, #tpu.memory_space<vmem>> -> memref<100xi32, #tpu.memory_space<vmem>>
        %dma_start3A_178 = arith.constant 0 : i32
        %dma_start3A_179 = arith.constant 0 : i32
        %dma_start3A_180 = tpu.memref_slice %arg4[%dma_start3A_178, %dma_start3A_179] : memref<100000x64xbf16, #tpu.memory_space<hbm>> -> memref<100000x64xbf16, #tpu.memory_space<hbm>>
        tpu.enqueue_indirect_dma source(%dma_start3A_180 : memref<100000x64xbf16, #tpu.memory_space<hbm>>) target(%arg10 : memref<100x64xbf16, #tpu.memory_space<vmem>>) offsets(%dma_start3A_177 : memref<100xi32, #tpu.memory_space<vmem>>) semaphore(%arg13 : memref<!tpu.dma_semaphore, #tpu.memory_space<semaphore_mem>>)
      } else {
      }
      %swap3A = arith.constant 0 : index
      %swap3A_123 = tpu.vector_load %arg11[%swap3A] {strides = array<i32>} : memref<320xf32, #tpu.memory_space<vmem>>, vector<16xf32>,
      tpu.vector_store %arg11[%swap3A], %scan3A_116#0 {strides = array<i32>} : memref<320xf32, #tpu.memory_space<vmem>>, vector<16xf32>,
      %swap3A_124 = arith.constant 16 : index
      %swap3A_125 = tpu.vector_load %arg11[%swap3A_124] {strides = array<i32>} : memref<320xf32, #tpu.memory_space<vmem>>, vector<16xf32>,
      tpu.vector_store %arg11[%swap3A_124], %scan3A_116#1 {strides = array<i32>} : memref<320xf32, #tpu.memory_space<vmem>>, vector<16xf32>,
      %swap3A_126 = arith.constant 32 : index
      %swap3A_127 = tpu.vector_load %arg11[%swap3A_126] {strides = array<i32>} : memref<320xf32, #tpu.memory_space<vmem>>, vector<16xf32>,
      tpu.vector_store %arg11[%swap3A_126], %scan3A_116#2 {strides = array<i32>} : memref<320xf32, #tpu.memory_space<vmem>>, vector<16xf32>,
      %swap3A_128 = arith.constant 48 : index
      %swap3A_129 = tpu.vector_load %arg11[%swap3A_128] {strides = array<i32>} : memref<320xf32, #tpu.memory_space<vmem>>, vector<16xf32>,
      tpu.vector_store %arg11[%swap3A_128], %scan3A_116#3 {strides = array<i32>} : memref<320xf32, #tpu.memory_space<vmem>>, vector<16xf32>,
      %swap3A_130 = arith.constant 64 : index
      %swap3A_131 = tpu.vector_load %arg11[%swap3A_130] {strides = array<i32>} : memref<320xf32, #tpu.memory_space<vmem>>, vector<16xf32>,
      tpu.vector_store %arg11[%swap3A_130], %scan3A_116#4 {strides = array<i32>} : memref<320xf32, #tpu.memory_space<vmem>>, vector<16xf32>,
      %swap3A_132 = arith.constant 80 : index
      %swap3A_133 = tpu.vector_load %arg11[%swap3A_132] {strides = array<i32>} : memref<320xf32, #tpu.memory_space<vmem>>, vector<16xf32>,
      tpu.vector_store %arg11[%swap3A_132], %scan3A_116#5 {strides = array<i32>} : memref<320xf32, #tpu.memory_space<vmem>>, vector<16xf32>,
      %swap3A_134 = arith.constant 96 : index
      %swap3A_135 = tpu.vector_load %arg11[%swap3A_134] {strides = array<i32>} : memref<320xf32, #tpu.memory_space<vmem>>, vector<16xf32>,
      tpu.vector_store %arg11[%swap3A_134], %scan3A_116#6 {strides = array<i32>} : memref<320xf32, #tpu.memory_space<vmem>>, vector<16xf32>,
      %swap3A_136 = arith.constant 112 : index
      %swap3A_137 = tpu.vector_load %arg11[%swap3A_136] {strides = array<i32>} : memref<320xf32, #tpu.memory_space<vmem>>, vector<16xf32>,
      tpu.vector_store %arg11[%swap3A_136], %scan3A_116#7 {strides = array<i32>} : memref<320xf32, #tpu.memory_space<vmem>>, vector<16xf32>,
      %swap3A_138 = arith.constant 128 : index
      %swap3A_139 = tpu.vector_load %arg11[%swap3A_138] {strides = array<i32>} : memref<320xf32, #tpu.memory_space<vmem>>, vector<16xf32>,
      tpu.vector_store %arg11[%swap3A_138], %scan3A_116#8 {strides = array<i32>} : memref<320xf32, #tpu.memory_space<vmem>>, vector<16xf32>,
      %swap3A_140 = arith.constant 144 : index
      %swap3A_141 = tpu.vector_load %arg11[%swap3A_140] {strides = array<i32>} : memref<320xf32, #tpu.memory_space<vmem>>, vector<16xf32>,
      tpu.vector_store %arg11[%swap3A_140], %scan3A_116#9 {strides = array<i32>} : memref<320xf32, #tpu.memory_space<vmem>>, vector<16xf32>,
      %swap3A_142 = arith.constant 160 : index
      %swap3A_143 = tpu.vector_load %arg11[%swap3A_142] {strides = array<i32>} : memref<320xf32, #tpu.memory_space<vmem>>, vector<16xf32>,
      tpu.vector_store %arg11[%swap3A_142], %scan3A_116#10 {strides = array<i32>} : memref<320xf32, #tpu.memory_space<vmem>>, vector<16xf32>,
      %swap3A_144 = arith.constant 176 : index
      %swap3A_145 = tpu.vector_load %arg11[%swap3A_144] {strides = array<i32>} : memref<320xf32, #tpu.memory_space<vmem>>, vector<16xf32>,
      tpu.vector_store %arg11[%swap3A_144], %scan3A_116#11 {strides = array<i32>} : memref<320xf32, #tpu.memory_space<vmem>>, vector<16xf32>,
      %swap3A_146 = arith.constant 192 : index
      %swap3A_147 = tpu.vector_load %arg11[%swap3A_146] {strides = array<i32>} : memref<320xf32, #tpu.memory_space<vmem>>, vector<16xf32>,
      tpu.vector_store %arg11[%swap3A_146], %scan3A_116#12 {strides = array<i32>} : memref<320xf32, #tpu.memory_space<vmem>>, vector<16xf32>,
      %swap3A_148 = arith.constant 208 : index
      %swap3A_149 = tpu.vector_load %arg11[%swap3A_148] {strides = array<i32>} : memref<320xf32, #tpu.memory_space<vmem>>, vector<16xf32>,
      tpu.vector_store %arg11[%swap3A_148], %scan3A_116#13 {strides = array<i32>} : memref<320xf32, #tpu.memory_space<vmem>>, vector<16xf32>,
      %swap3A_150 = arith.constant 224 : index
      %swap3A_151 = tpu.vector_load %arg11[%swap3A_150] {strides = array<i32>} : memref<320xf32, #tpu.memory_space<vmem>>, vector<16xf32>,
      tpu.vector_store %arg11[%swap3A_150], %scan3A_116#14 {strides = array<i32>} : memref<320xf32, #tpu.memory_space<vmem>>, vector<16xf32>,
      %swap3A_152 = arith.constant 240 : index
      %swap3A_153 = tpu.vector_load %arg11[%swap3A_152] {strides = array<i32>} : memref<320xf32, #tpu.memory_space<vmem>>, vector<16xf32>,
      tpu.vector_store %arg11[%swap3A_152], %scan3A_116#15 {strides = array<i32>} : memref<320xf32, #tpu.memory_space<vmem>>, vector<16xf32>,
      %swap3A_154 = arith.constant 256 : index
      %swap3A_155 = tpu.vector_load %arg11[%swap3A_154] {strides = array<i32>} : memref<320xf32, #tpu.memory_space<vmem>>, vector<16xf32>,
      tpu.vector_store %arg11[%swap3A_154], %scan3A_116#16 {strides = array<i32>} : memref<320xf32, #tpu.memory_space<vmem>>, vector<16xf32>,
      %swap3A_156 = arith.constant 272 : index
      %swap3A_157 = tpu.vector_load %arg11[%swap3A_156] {strides = array<i32>} : memref<320xf32, #tpu.memory_space<vmem>>, vector<16xf32>,
      tpu.vector_store %arg11[%swap3A_156], %scan3A_116#17 {strides = array<i32>} : memref<320xf32, #tpu.memory_space<vmem>>, vector<16xf32>,
      %swap3A_158 = arith.constant 288 : index
      %swap3A_159 = tpu.vector_load %arg11[%swap3A_158] {strides = array<i32>} : memref<320xf32, #tpu.memory_space<vmem>>, vector<16xf32>,
      tpu.vector_store %arg11[%swap3A_158], %scan3A_116#18 {strides = array<i32>} : memref<320xf32, #tpu.memory_space<vmem>>, vector<16xf32>,
      %swap3A_160 = arith.constant 304 : index
      %swap3A_161 = tpu.vector_load %arg11[%swap3A_160] {strides = array<i32>} : memref<320xf32, #tpu.memory_space<vmem>>, vector<16xf32>,
      tpu.vector_store %arg11[%swap3A_160], %scan3A_116#19 {strides = array<i32>} : memref<320xf32, #tpu.memory_space<vmem>>, vector<16xf32>,
      %mul3A_162 = arith.constant 128 : i32
      %mul3A_163 = arith.muli %add3A, %mul3A_162 : i32
      %add3A_164 = arith.addi %mul3A_163, %scan3A_36 : i32
      "tpu.region"() ({
        %run_scoped3A = tpu.sem_alloc : memref<!tpu.dma_semaphore, #tpu.memory_space<semaphore_mem>>
        %dma_start3A_165 = arith.constant 0 : i32
        %dma_start3A_166 = tpu.memref_slice %arg5[%add3A_164, %dma_start3A_165] : memref<4096x320xf32, #tpu.memory_space<hbm>> -> memref<1x320xf32, #tpu.memory_space<hbm>>
        %dma_start3A_167 = tpu.memref_squeeze %dma_start3A_166 : memref<1x320xf32, #tpu.memory_space<hbm>> -> memref<320xf32, #tpu.memory_space<hbm>>
        %dma_start3A_168 = arith.constant 0 : i32
        %dma_start3A_169 = tpu.memref_slice %arg5[%add3A_164, %dma_start3A_168] : memref<4096x320xf32, #tpu.memory_space<hbm>> -> memref<1x320xf32, #tpu.memory_space<hbm>>
        %dma_start3A_170 = tpu.memref_squeeze %dma_start3A_169 : memref<1x320xf32, #tpu.memory_space<hbm>> -> memref<320xf32, #tpu.memory_space<hbm>>
        tpu.enqueue_dma source(%arg11 : memref<320xf32, #tpu.memory_space<vmem>>) target(%dma_start3A_170 : memref<320xf32, #tpu.memory_space<hbm>>) target_semaphore(%run_scoped3A : memref<!tpu.dma_semaphore, #tpu.memory_space<semaphore_mem>>)
        %dma_wait3A_171 = arith.constant 0 : i32
        %dma_wait3A_172 = tpu.memref_slice %arg5[%add3A_164, %dma_wait3A_171] : memref<4096x320xf32, #tpu.memory_space<hbm>> -> memref<1x320xf32, #tpu.memory_space<hbm>>
        %dma_wait3A_173 = tpu.memref_squeeze %dma_wait3A_172 : memref<1x320xf32, #tpu.memory_space<hbm>> -> memref<320xf32, #tpu.memory_space<hbm>>
        %dma_wait3A_174 = arith.constant 0 : i32
        %dma_wait3A_175 = tpu.memref_slice %arg5[%add3A_164, %dma_wait3A_174] : memref<4096x320xf32, #tpu.memory_space<hbm>> -> memref<1x320xf32, #tpu.memory_space<hbm>>
        %dma_wait3A_176 = tpu.memref_squeeze %dma_wait3A_175 : memref<1x320xf32, #tpu.memory_space<hbm>> -> memref<320xf32, #tpu.memory_space<hbm>>
        tpu.wait_dma2 semaphore(%run_scoped3A : memref<!tpu.dma_semaphore, #tpu.memory_space<semaphore_mem>>) src(%arg11 : memref<320xf32, #tpu.memory_space<vmem>>) dst(%dma_wait3A_176 : memref<320xf32, #tpu.memory_space<hbm>>)
        tpu.yield
      }) : () -> ()
    }
    %scan3A_35 = arith.constant 128 : i32
    return
  }
}

module attributes {stable_mosaic.version = 14 : i64} {
  func.func @_mlp_body(%arg0: i32, %arg1: memref<512x320xf32, #tpu.memory_space<vmem>>, %arg2: memref<320x256xf32, #tpu.memory_space<vmem>>, %arg3: memref<1x256xf32, #tpu.memory_space<vmem>>, %arg4: memref<256x128xf32, #tpu.memory_space<vmem>>, %arg5: memref<1x128xf32, #tpu.memory_space<vmem>>, %arg6: memref<128x32xf32, #tpu.memory_space<vmem>>, %arg7: memref<1x32xf32, #tpu.memory_space<vmem>>, %arg8: memref<512x32xf32, #tpu.memory_space<vmem>>) attributes {dimension_semantics = [#tpu.dimension_semantics<arbitrary>], iteration_bounds = array<i64: 8>, scalar_prefetch = 0 : i64, scratch_operands = 0 : i64, tpu.core_type = #tpu.core_type<tc>, window_params = [{transform_indices = @transform_0, window_bounds = array<i64: 512, 320>}, {pipeline_mode = #tpu.pipeline_mode<synchronous>, transform_indices = @transform_1, window_bounds = array<i64: 320, 256>}, {pipeline_mode = #tpu.pipeline_mode<synchronous>, transform_indices = @transform_2, window_bounds = array<i64: 1, 256>}, {pipeline_mode = #tpu.pipeline_mode<synchronous>, transform_indices = @transform_3, window_bounds = array<i64: 256, 128>}, {pipeline_mode = #tpu.pipeline_mode<synchronous>, transform_indices = @transform_4, window_bounds = array<i64: 1, 128>}, {pipeline_mode = #tpu.pipeline_mode<synchronous>, transform_indices = @transform_5, window_bounds = array<i64: 128, 32>}, {pipeline_mode = #tpu.pipeline_mode<synchronous>, transform_indices = @transform_6, window_bounds = array<i64: 1, 32>}, {transform_indices = @transform_7, window_bounds = array<i64: 512, 32>}]} {
    %get3A = arith.constant 0 : index
    %get3A_0 = arith.constant 0 : index
    %get3A_1 = vector.load %arg1[%get3A, %get3A_0] : memref<512x320xf32, #tpu.memory_space<vmem>>, vector<512x320xf32>
    %get3A_2 = arith.constant 0 : index
    %get3A_3 = arith.constant 0 : index
    %get3A_4 = vector.load %arg2[%get3A_2, %get3A_3] : memref<320x256xf32, #tpu.memory_space<vmem>>, vector<320x256xf32>
    %dot_general3A = arith.constant dense<0.000000e+00> : vector<512x256xf32>
    %dot_general3A_5 = tpu.matmul %get3A_1, %get3A_4, %dot_general3A {dimension_numbers = #tpu.dot_dimension_numbers<[1], [0], [0], [1], [0, 0, 1, 1], [], []>, precision = #tpu.contract_precision<fp32>, transpose_lhs_hint = false} : vector<512x320xf32>, vector<320x256xf32>, vector<512x256xf32> -> vector<512x256xf32>
    %get3A_6 = arith.constant 0 : index
    %get3A_7 = arith.constant 0 : index
    %get3A_8 = vector.load %arg3[%get3A_6, %get3A_7] : memref<1x256xf32, #tpu.memory_space<vmem>>, vector<1x256xf32>
    %add3A = vector.broadcast %get3A_8 : vector<1x256xf32> to vector<512x256xf32>
    %add3A_9 = arith.addf %dot_general3A_5, %add3A : vector<512x256xf32>
    %max3A = arith.constant 0.000000e+00 : f32
    %max3A_10 = vector.broadcast %max3A : f32 to vector<512x256xf32>
    %max3A_11 = arith.maximumf %add3A_9, %max3A_10 : vector<512x256xf32>
    %get3A_12 = arith.constant 0 : index
    %get3A_13 = arith.constant 0 : index
    %get3A_14 = vector.load %arg4[%get3A_12, %get3A_13] : memref<256x128xf32, #tpu.memory_space<vmem>>, vector<256x128xf32>
    %dot_general3A_15 = arith.constant dense<0.000000e+00> : vector<512x128xf32>
    %dot_general3A_16 = tpu.matmul %max3A_11, %get3A_14, %dot_general3A_15 {dimension_numbers = #tpu.dot_dimension_numbers<[1], [0], [0], [1], [0, 0, 1, 1], [], []>, precision = #tpu.contract_precision<fp32>, transpose_lhs_hint = false} : vector<512x256xf32>, vector<256x128xf32>, vector<512x128xf32> -> vector<512x128xf32>
    %get3A_17 = arith.constant 0 : index
    %get3A_18 = arith.constant 0 : index
    %get3A_19 = vector.load %arg5[%get3A_17, %get3A_18] : memref<1x128xf32, #tpu.memory_space<vmem>>, vector<1x128xf32>
    %add3A_20 = vector.broadcast %get3A_19 : vector<1x128xf32> to vector<512x128xf32>
    %add3A_21 = arith.addf %dot_general3A_16, %add3A_20 : vector<512x128xf32>
    %max3A_22 = arith.constant 0.000000e+00 : f32
    %max3A_23 = vector.broadcast %max3A_22 : f32 to vector<512x128xf32>
    %max3A_24 = arith.maximumf %add3A_21, %max3A_23 : vector<512x128xf32>
    %get3A_25 = arith.constant 0 : index
    %get3A_26 = arith.constant 0 : index
    %get3A_27 = vector.load %arg6[%get3A_25, %get3A_26] : memref<128x32xf32, #tpu.memory_space<vmem>>, vector<128x32xf32>
    %dot_general3A_28 = arith.constant dense<0.000000e+00> : vector<512x32xf32>
    %dot_general3A_29 = tpu.matmul %max3A_24, %get3A_27, %dot_general3A_28 {dimension_numbers = #tpu.dot_dimension_numbers<[1], [0], [0], [1], [0, 0, 1, 1], [], []>, precision = #tpu.contract_precision<fp32>, transpose_lhs_hint = false} : vector<512x128xf32>, vector<128x32xf32>, vector<512x32xf32> -> vector<512x32xf32>
    %get3A_30 = arith.constant 0 : index
    %get3A_31 = arith.constant 0 : index
    %get3A_32 = vector.load %arg7[%get3A_30, %get3A_31] : memref<1x32xf32, #tpu.memory_space<vmem>>, vector<1x32xf32>
    %add3A_33 = vector.broadcast %get3A_32 : vector<1x32xf32> to vector<512x32xf32>
    %add3A_34 = arith.addf %dot_general3A_29, %add3A_33 : vector<512x32xf32>
    %swap3A = arith.constant 0 : index
    %swap3A_35 = arith.constant 0 : index
    %swap3A_36 = vector.load %arg8[%swap3A, %swap3A_35] : memref<512x32xf32, #tpu.memory_space<vmem>>, vector<512x32xf32>
    tpu.vector_store %arg8[%swap3A, %swap3A_35], %add3A_34 {strides = array<i32>} : memref<512x32xf32, #tpu.memory_space<vmem>>, vector<512x32xf32>,
    return
  }
  func.func @transform_0(%arg0: i32) -> (i32, i32) {
    %c0_i32 = arith.constant 0 : i32
    %c0_i32_0 = arith.constant 0 : i32
    return %arg0, %c0_i32 : i32, i32
  }
  func.func @transform_1(%arg0: i32) -> (i32, i32) {
    %c0_i32 = arith.constant 0 : i32
    %c0_i32_0 = arith.constant 0 : i32
    %c0_i32_1 = arith.constant 0 : i32
    return %c0_i32, %c0_i32_0 : i32, i32
  }
  func.func @transform_2(%arg0: i32) -> (i32, i32) {
    %c0_i32 = arith.constant 0 : i32
    %c0_i32_0 = arith.constant 0 : i32
    %c0_i32_1 = arith.constant 0 : i32
    return %c0_i32, %c0_i32_0 : i32, i32
  }
  func.func @transform_3(%arg0: i32) -> (i32, i32) {
    %c0_i32 = arith.constant 0 : i32
    %c0_i32_0 = arith.constant 0 : i32
    %c0_i32_1 = arith.constant 0 : i32
    return %c0_i32, %c0_i32_0 : i32, i32
  }
  func.func @transform_4(%arg0: i32) -> (i32, i32) {
    %c0_i32 = arith.constant 0 : i32
    %c0_i32_0 = arith.constant 0 : i32
    %c0_i32_1 = arith.constant 0 : i32
    return %c0_i32, %c0_i32_0 : i32, i32
  }
  func.func @transform_5(%arg0: i32) -> (i32, i32) {
    %c0_i32 = arith.constant 0 : i32
    %c0_i32_0 = arith.constant 0 : i32
    %c0_i32_1 = arith.constant 0 : i32
    return %c0_i32, %c0_i32_0 : i32, i32
  }
  func.func @transform_6(%arg0: i32) -> (i32, i32) {
    %c0_i32 = arith.constant 0 : i32
    %c0_i32_0 = arith.constant 0 : i32
    %c0_i32_1 = arith.constant 0 : i32
    return %c0_i32, %c0_i32_0 : i32, i32
  }
  func.func @transform_7(%arg0: i32) -> (i32, i32) {
    %c0_i32 = arith.constant 0 : i32
    %c0_i32_0 = arith.constant 0 : i32
    return %arg0, %c0_i32 : i32, i32
  }
}

</mosaic_0001>

<sc_bundles>
// kernel: kernel.4.cloned.1.call-start
scs
__scs_entry_jumppad:
0x0: {  	(pc) =	sbr.rel $0x88, $3  }
0x1: {  	(tag) =	ssettag $0x0;
	lr =	simm.s32 $0x1  }
0x2: {  	[smem:$0x3F99] =	sst lr;
	_ =	strace $0xD0000000  }
0x3: {  	_ = 	snop  }
0x4: {  	_ = 	snop  }
0x5: {  	_ = 	snop  }
0x6: {  	_ = 	snop  }
0x7: {  	_ = 	snop  }
__scs_overlays_trampoline_lowered:
0x8: {  	[smem:$0x3FA8] =	sst s0  }
0x9: {  	[smem:$0x3FA9] =	sst s1  }
0xa: {  	[smem:$0x3FAA] =	sst s2  }
0xb: {  	[smem:$0x3FAB] =	sst s3  }
0xc: {  	[smem:$0x3FAC] =	sst s4  }
0xd: {  	[smem:$0x3FAD] =	sst s5  }
0xe: {  	[smem:$0x3FAE] =	sst s6  }
0xf: {  	[smem:$0x3FAF] =	sst s7  }
0x10: {  	[smem:$0x3FB0] =	sst s8  }
0x11: {  	[smem:$0x3FB1] =	sst s9;
	s0 =	simm.s32 @!p0 $0x0  }
0x12: {  	s1 =	sld [smem:$0x3F97];
	s0 =	simm.s32 @p0 $0x1  }
0x13: {  	[smem:$0x3FB2] =	sst s0;
	s0 =	simm.s32 @!p1 $0x0  }
0x14: {  	s2 =	sld [smem:$0x3F96];
	s0 =	simm.s32 @p1 $0x1  }
0x15: {  	[smem:$0x3FB3] =	sst s0;
	s0 =	simm.s32 @!p2 $0x0  }
0x16: {  	s3 =	sld [smem:$0x3FDB];
	s0 =	simm.s32 @p2 $0x1  }
0x17: {  	s4 =	simm.s32 $0x1BF5;
	[smem:$0x3FB5] =	sst s0  }
0x18: {  	s0 =	sld [smem:$0x3F98];
	_ =	swait.ge [sflag:s4], $0x0  }
0x19: {  	s7 =	sld [smem:$0x3F99]  }
0x1a: {  	s8 =	sadd.s32 $0xFFFFE003, lr  }
0x1b: {  	s9 =	sadd.s32 $0xFFFFFEF7, lr;
	s5 =	simm.s32 $0xFFFFFFFF;
	p2 =	slt.u32 s8, $0xFFFFF086  }
0x1c: {  	p1 =	slt.u32 s9, $0xF7A;
	s5 =	simm.s32 @!p2 $0x0  }
0x1d: {  	s5 =	simm.s32 @p1 $0x1;
	p0 =	seq.s32 s7, s2  }
0x1e: {  	s7 =	smul.u32 @!p0 $0xF7A, s2;
	p2 =	seq.s32 @!p0 s5, $0x0  }
0x1f: {  	s9 =	smul.u32 $0xF7A, s1;
	s8 =	simm.s32 @!p0 $0x1BF5;
	p2 =	por !p2, p0  }
0x20: {  	[sflag:s8] =	ssyncset.s32 @!p0 $0xFFFFF086;
	s6 =	sadd.s32 @!p0 s3, s7;
	s7 =	simm.s32 @!p0 $0x108  }
0x21: {  	s3 =	sadd.s32 s3, s9;
	s6 =	sadd.s32 @!p0 $0x88, s6;
	s7 =	simm.s32 @p2 $0x1082  }
0x22: {  	[simem:s7], [sflag:s8] =	dma.local @!p0 [hbm:s6], $0xF7A  }
0x23: {  	s9 =	sor.u32 $0xD0000000, s2;
	s6 =	simm.s32 $0x108;
	_ =	swait.ge @!p0 [sflag:s8], $0x0  }
0x24: {  	s3 =	sadd.s32 $0x88, s3;
	s6 =	simm.s32 @!p1 $0x1082;
	[sflag:s4] =	ssyncset.s32 $0xFFFFF086  }
0x25: {  	[simem:s6], [sflag:s4] =	dma.local [hbm:s3], $0xF7A  }
0x26: {  	[smem:$0x3F99] =	sst s1;
	(tag) =	ssettag s2;
	_ =	strace s9  }
0x27: {  	s1 =	sld [smem:$0x3FA9]  }
0x28: {  	s2 =	sld [smem:$0x3FAA]  }
0x29: {  	s4 =	sld [smem:$0x3FAC]  }
0x2a: {  	p0 =	seq.s32 s5, $0x0;
	s5 =	sld [smem:$0x3FAD]  }
0x2b: {  	s6 =	sld [smem:$0x3FAE]  }
0x2c: {  	s7 =	sld [smem:$0x3FAF]  }
0x2d: {  	s3 =	simm.s32 $0x108;
	s8 =	sld [smem:$0x3FB0]  }
0x2e: {  	s3 =	simm.s32 @!p0 $0x1082;
	s9 =	sld [smem:$0x3FB1]  }
0x2f: {  	lr =	sadd.s32 s0, s3;
	s0 =	sld [smem:$0x3FA8]  }
0x30: {  	s3 =	sld [smem:$0x3FAB]  }
0x31: {  	[smem:$0x3FB4] =	sst s10  }
0x32: {  	s10 =	sld [smem:$0x3FB2];
	_ =	sdelay $0x3  }
0x33: {  	p0 =	seq.s32 s10, $0x1;
	s10 =	sld [smem:$0x3FB4];
	_ =	sdelay $0x3  }
0x34: {  	[smem:$0x3FB4] =	sst s10  }
0x35: {  	s10 =	sld [smem:$0x3FB3];
	_ =	sdelay $0x3  }
0x36: {  	p1 =	seq.s32 s10, $0x1;
	s10 =	sld [smem:$0x3FB4];
	_ =	sdelay $0x3  }
0x37: {  	[smem:$0x3FB4] =	sst s10  }
0x38: {  	s10 =	sld [smem:$0x3FB5]  }
0x39: {  	_ = 	snop;
	(pc) =	sbr.ind lr, $3  }
0x3a: {  	_ = 	snop  }
0x3b: {  	_ = 	snop  }
0x3c: {  	p2 =	seq.s32 s10, $0x1;
	s10 =	sld [smem:$0x3FB4]  }
0x3d: {  	_ =	shalt  }
0x3e: {  	_ =	shalt  }
0x3f: {  	_ =	shalt  }
0x40: {  	_ =	shalt  }
0x41: {  	_ =	shalt  }
0x42: {  	_ =	shalt  }
0x43: {  	_ =	shalt  }
0x44: {  	_ =	shalt  }
0x45: {  	_ =	shalt  }
0x46: {  	_ =	shalt  }
0x47: {  	_ =	shalt  }
0x48: {  	_ =	shalt  }
0x49: {  	_ =	shalt  }
0x4a: {  	_ =	shalt  }
0x4b: {  	_ =	shalt  }
0x4c: {  	_ =	shalt  }
0x4d: {  	_ =	shalt  }
0x4e: {  	_ =	shalt  }
0x4f: {  	_ =	shalt  }
0x50: {  	_ =	shalt  }
0x51: {  	_ =	shalt  }
0x52: {  	_ =	shalt  }
0x53: {  	_ =	shalt  }
0x54: {  	_ =	shalt  }
0x55: {  	_ =	shalt  }
0x56: {  	_ =	shalt  }
0x57: {  	_ =	shalt  }
0x58: {  	_ =	shalt  }
0x59: {  	_ =	shalt  }
0x5a: {  	_ =	shalt  }
0x5b: {  	_ =	shalt  }
0x5c: {  	_ =	shalt  }
0x5d: {  	_ =	shalt  }
0x5e: {  	_ =	shalt  }
0x5f: {  	_ =	shalt  }
0x60: {  	_ =	shalt  }
0x61: {  	_ =	shalt  }
0x62: {  	_ =	shalt  }
0x63: {  	_ =	shalt  }
0x64: {  	_ =	shalt  }
0x65: {  	_ =	shalt  }
0x66: {  	_ =	shalt  }
0x67: {  	_ =	shalt  }
0x68: {  	_ =	shalt  }
0x69: {  	_ =	shalt  }
0x6a: {  	_ =	shalt  }
0x6b: {  	_ =	shalt  }
0x6c: {  	_ =	shalt  }
0x6d: {  	_ =	shalt  }
0x6e: {  	_ =	shalt  }
0x6f: {  	_ =	shalt  }
0x70: {  	_ =	shalt  }
0x71: {  	_ =	shalt  }
0x72: {  	_ =	shalt  }
0x73: {  	_ =	shalt  }
0x74: {  	_ =	shalt  }
0x75: {  	_ =	shalt  }
0x76: {  	_ =	shalt  }
0x77: {  	_ =	shalt  }
0x78: {  	_ =	shalt  }
0x79: {  	_ =	shalt  }
0x7a: {  	_ =	shalt  }
0x7b: {  	_ =	shalt  }
0x7c: {  	_ =	shalt  }
0x7d: {  	_ =	shalt  }
0x7e: {  	_ =	shalt  }
0x7f: {  	_ =	shalt  }
0x80: {  	_ =	shalt  }
0x81: {  	_ =	shalt  }
0x82: {  	_ =	shalt  }
0x83: {  	_ =	shalt  }
0x84: {  	_ =	shalt  }
0x85: {  	_ =	shalt  }
0x86: {  	_ =	shalt  }
0x87: {  	_ =	shalt  }
.Lfunc_end0:
.L_simem_size_0:
called_computation.1_lowered:
.L_overlay_start_0:
0x88: {  	s2 =	sld [smem:$0x3FD9]  }
0x89: {  	s3 =	sld [smem:$0x3FFE];
	_ =	sdelay $0x1  }
0x8a: {  	s1 =	srdreg.scid  }
0x8b: {  	s0 =	sand.u32 $0x1, s1  }
0x8c: {  	s16 =	sshll.u32 s0, $0xA;
	s2 =	sadd.s32 s3, s2  }
0x8d: {  	s2 =	sadd.s32 s2, s16  }
0x8e: {  	[smem:$0x3FC0] =	sst s2  }
0x8f: {  	_ = 	snop  }
0x90: {  	(tm) =	ssettm $0x1  }
0x91: {  	s17 =	sld [smem:$0x3FFB];
	_ =	sdelay $0x3  }
0x92: {  	_ =	strace s17  }
0x93: {  	s2 =	sld [smem:$0x3FFC];
	_ =	sdelay $0x3  }
0x94: {  	_ =	strace s2  }
0x95: {  	s2 =	sld [smem:$0x3FFD];
	_ =	sdelay $0x3  }
0x96: {  	_ =	strace s2  }
0x97: {  	_ =	strace $0x8FFFFFFF  }
0x98: {  	s18 =	sld [smem:$0x3FDB];
	_ =	sdelay $0x1  }
0x99: {  	s19 =	simm.s32 $_scs_section_size  }
0x9a: {  	s4 =	simm.s32 $_size__tile_overlayer_lowered;
	s5 =	simm.s32 $_tile_overlayer_lowered  }
0x9b: {  	s22 =	simm.s32 $0x1BFF;
	s21 =	sshll.u32 s5, $0x1;
	s2 =	sadd.s32 s19, s18  }
0x9c: {  	s6 =	simm.s32 $0x0;
	s20 =	sshll.u32 s4, $0x1;
	s4 =	sadd.s32 s21, s2  }
0x9d: {  	[timem:s6], [sflag:s22] =	dma.local [hbm:s4], s20  }
0x9e: {  	_ =	swait.ge [sflag:s22], s20  }
0x9f: {  	s3 =	ssub.s32 $0x0, s20;
	[sflag:s22] =	ssyncset.done $0x0  }
0xa0: {  	[sflag:s22] =	ssyncadd.s32 s3;
	_ =	sdelay $0x1  }
0xa1: {  	s23 =	simm.s32 $0x1B8B  }
0xa2: {  	_ =	swait.ge [sflag:s23], $0x1  }
0xa3: {  	[sflag:s23] =	ssyncset.done $0x0  }
0xa4: {  	s25 =	simm.s32 $0x1B8E;
	s24 =	sld [smem:$0x3FFE];
	[sflag:s23] =	ssyncadd.s32 $0xFFFFFFFF  }
0xa5: {  	s26 =	simm.s32 $execute0_lowered;
	[smem:$0x3FD2] =	sst s25  }
0xa6: {  	s4 =	sshll.u32 s26, $0x1;
	_ =	strace $0x80000049;
	[dreg:$0x1] =	wrdreg $0xFFFFFFFF  }
0xa7: {  	s28 =	simm.s32 $_size_execute0_lowered;
	s2 =	sadd.s32 s2, s4;
	[dreg:$0x0] =	wrdreg $0x0  }
0xa8: {  	s4 =	sshll.u32 s28, $0x1;
	[dreg:$0x2] =	wrdreg s2  }
0xa9: {  	[dreg:$0x3] =	wrdreg s4  }
0xaa: {  	[dreg:$0x4] =	wrdreg $0xC0  }
0xab: {  	_ =	task [dreg:s6], $0x5FFFF  }
0xac: {  	[dreg:$0x1] =	wrdreg $0xFFFFFFFF  }
0xad: {  	[dreg:$0x0] =	wrdreg $0x60  }
0xae: {  	[dreg:$0x2] =	wrdreg s24  }
0xaf: {  	[dreg:$0x3] =	wrdreg $0x9  }
0xb0: {  	_ =	task.clear_ibuf [dreg:s6], $0x4FFFF;
	_ =	strace $0x90000049  }
0xb1: {  	s29 =	simm.s32 $0x9;
	_ =	strace $0x8000004B  }
0xb2: {  	_ =	swait.ge [sflag:s29], $0x1  }
0xb3: {  	[sflag:s29] =	ssyncadd.s32 $0xFFFFFFFF  }
0xb4: {  	_ =	strace $0x9000004B  }
0xb5: {  	_ =	sfence  }
0xb6: {  	s30 =	sld [smem:$0x0];
	_ =	sdelay $0x2  }
0xb7: {  	s31 =	sshll.u32 s1, $0xD;
	s1 =	sshrl.u32 s1, $0x2  }
0xb8: {  	s3 =	sand.u32 $0x4000, s31;
	s1 =	sadd.s32 s1, s30  }
0xb9: {  	s0 =	sor.u32 s3, s0;
	s1 =	sshll.u32 s1, $0x11  }
0xba: {  	s0 =	sor.u32 s1, s0  }
0xbb: {  	s0 =	sadd.s32 $0x8F2B, s0  }
0xbc: {  	[sflag:s0] =	ssyncadd.remote.s32 $0x1  }
0xbd: {  	_ =	sfence.sel $0xFFFF  }
0xbe: {  	[dreg:$0x0] =	wrdreg $0xFFFFFFFF;
	(pc) =	sbr.abs _section_cstart, $3  }
0xbf: {  	[dreg:$0x1] =	wrdreg $0xFFFFFFFF  }
0xc0: {  	_ =	task.clear_ibuf [dreg:s6], $0x2FFFF;
	_ =	strace $0x9FFFFFFF  }
0xc1: {  	(tm) =	ssettm $0x7FFFFFFF  }
tec
execute0_lowered:
.L_overlay_start_1:
0x0: {  	(tag) =	ssettag $0x1  }
0x1: {  	s1 =	srdreg.scid;
	s0 =	stileid.u32  }
0x2: {  	s5 =	rddreg [dreg:$0x0];
	s2 =	simm.s32 $0x0;
	s10 =	simm.s32 $0x64  }
0x3: {  	s11 =	simm.s32 $0x6800;
	s12 =	simm.s32 $0xCC00;
	s13 =	simm.s32 $0x68  }
0x4: {  	s14 =	simm.s32 $0x9A00;
	s15 =	simm.s32 $0xD880;
	s16 =	simm.s32 $0x1  }
0x5: {  	s17 =	simm.s32 $0x2;
	s18 =	simm.s32 $0xE500;
	s19 =	simm.s32 $0x0  }
0x6: {  	s4 =	sand.u32 $0x1, s1;
	s3 =	sshll.u32 s0, $0x1;
	s1 =	rddreg [dreg:$0x1]  }
0x7: {  	[smem:$0x7FF] =	sst s2;
	s7 =	sor.u32 s4, s3;
	s8 =	ssub.s32 $0x2, s4  }
0x8: {  	_ =	strace $0x8000004A;
	s3 =	smul.u32 $0xD00, s7;
	s9 =	sshrl.u32 s8, $0x1  }
0x9: {  	s4 =	sadd.s32 $0x1A00, s5;
	s7 =	sshll.u32 s7, $0x7;
	s8 =	ssub.s32 s8, s9  }
0xa: {  	s9 =	simm.s32 $0x3;
	s6 =	sadd.s32 s3, s5;
	s3 =	sadd.s32 $0x3D2400, s5  }
0xb: {  	s5 =	sadd.s32 $0x7D600, s5;
	s8 =	smax.u32 s8, $0x1;
	s6 =	sadd.s32 $0x63600, s6  }
.LBB2_1:
0xc: {  	[tilespmem:s2], [sflag:$0x3] =	stream.linear.gather [hbm4b:s6+s2], $0x6800, $0x38;
	[tilespmem:$0xE640] =	vst v63  }
0xd: {  	_ =	swait.ge [sflag:s9], $0x6800  }
0xe: {  	[sflag:s9] =	ssyncset.done $0x0  }
0xf: {  	[sflag:s9] =	ssyncadd.s32 $0xFFFF9800  }
0x10: {  	[tilespmem:s11], [sflag:$0x1] =	stream.indirect.gather [hbm4b:s3+s10], $0x80, s2, s10, $0xb8;
	[tilespmem:$0xE640] =	vst v63  }
0x11: {  	_ = 	snop  }
0x12: {  	[tilespmem:s12], [sflag:$0x1] =	stream.indirect.gather [hbm4b:s4+s10], $0x20, s2, s10, $0xb8;
	[tilespmem:$0xE640] =	vst v63  }
0x13: {  	_ = 	snop  }
0x14: {  	[tilespmem:s14], [sflag:$0x2] =	stream.indirect.gather [hbm4b:s3+s10], $0x80, s13, s10, $0xb8;
	[tilespmem:$0xE640] =	vst v63  }
0x15: {  	s20 =	simm.s32 $0x0  }
0x16: {  	[tilespmem:s15], [sflag:$0x2] =	stream.indirect.gather [hbm4b:s4+s10], $0x20, s13, s10, $0xb8;
	[tilespmem:$0xE640] =	vst v63  }
.LBB2_2:
0x17: {  	_ =	swait.ge [sflag:s16], $0x3200  }
0x18: {  	[sflag:s16] =	ssyncset.done $0x0  }
0x19: {  	[sflag:s16] =	ssyncadd.s32 $0xFFFFCE00  }
0x1a: {  	_ =	swait.ge [sflag:s16], $0xC80  }
0x1b: {  	[sflag:s16] =	ssyncset.done $0x0  }
0x1c: {  	s21 =	simm.s32 $0x6840;
	[sflag:s16] =	ssyncadd.s32 $0xFFFFF380  }
0x1d: {  	v0 =	vld [tilespmem:s21+$0xFFFFFFD0]  }
0x1e: {  	v1 =	vld [tilespmem:s21+$0x30]  }
0x1f: {  	v2 =	vld [tilespmem:s21+$0x20]  }
0x20: {  	v3 =	vld [tilespmem:s21+$0xFFFFFFE0]  }
0x21: {  	v5 =	vimm.f32 $0.0e+00;
	v17 =	vimm.f32 $0.0e+00;
	v24 =	vld [tilespmem:s21+$0x10]  }
0x22: {  	v18 =	vimm.f32 $0.0e+00;
	v16 =	vimm.f32 $0.0e+00;
	v14 =	vimm.f32 $0.0e+00  }
0x23: {  	v15 =	vimm.f32 $0.0e+00;
	v19 =	vimm.f32 $0.0e+00;
	v21 =	vimm.f32 $0.0e+00;
	v10 =	vld [tilespmem:s21+$0xFFFFFFF0]  }
0x24: {  	v20 =	vimm.f32 $0.0e+00;
	v12 =	vld [tilespmem:s21+$0xFFFFFFC0];
	v4 =	vshll.u32 v0, $0x10;
	v6 =	vshll.u32 v1, $0x10  }
0x25: {  	v25 =	vld [tilespmem:s21+$0x0];
	v1 =	vand.u32 $0xFFFF0000, v1;
	v0 =	vand.u32 $0xFFFF0000, v0;
	v11 =	vshll.u32 v2, $0x10  }
0x26: {  	s22 =	simm.s32 $0x0;
	v13 =	vshll.u32 v3, $0x10;
	v22 =	vand.u32 $0xFFFF0000, v3;
	v23 =	vand.u32 $0xFFFF0000, v24  }
0x27: {  	v26 =	vld [tilespmem:s22+$0xCC00];
	v7 =	vadd.f32 v4, v5;
	v8 =	vadd.f32 v6, v5;
	v4 =	vand.u32 $0xFFFF0000, v2  }
0x28: {  	v27 =	vld [tilespmem:s22+$0xCC10];
	v9 =	vadd.f32 v1, v5;
	v2 =	vadd.f32 v0, v5;
	v0 =	vand.u32 $0xFFFF0000, v10  }
0x29: {  	v1 =	vshll.u32 v12, $0x10;
	v6 =	vadd.f32 v0, v5;
	v3 =	vadd.f32 v4, v5  }
0x2a: {  	v28 =	vshll.u32 v25, $0x10;
	v4 =	vadd.f32 v13, v5;
	v0 =	vadd.f32 v1, v5  }
0x2b: {  	s21 =	simm.s32 $0x80;
	s22 =	simm.s32 $0x68C0;
	v1 =	vadd.f32 v11, v5;
	v13 =	vimm.f32 $0.0e+00;
	v11 =	vimm.f32 $0.0e+00  }
.LBB2_3:
0x2c: {  	v29 =	vld [tilespmem:s22+$0xFFFFFFD0];
	s23 =	sshra.s32 s21, $0x2;
	p0 =	sne.s32 s21, $0x3180;
	s21 =	sadd.s32 $0x80, s21;
	v12 =	vand.u32 $0xFFFF0000, v12;
	v5 =	vadd.f32 v28, v5;
	v24 =	vshll.u32 v24, $0x10  }
0x2d: {  	v25 =	vand.u32 $0xFFFF0000, v25;
	v30 =	vshll.u32 v26, $0x10;
	v28 =	vld [tilespmem:s22+$0x30];
	v31 =	vshll.u32 v27, $0x10  }
0x2e: {  	v33 =	vshll.u32 v10, $0x10;
	v13 =	vadd.f32 v24, v13;
	v32 =	vld [tilespmem:s22+$0xFFFFFFE0];
	v17 =	vadd.f32 v31, v17  }
0x2f: {  	v18 =	vadd.f32 v12, v18;
	v11 =	vadd.f32 v30, v11;
	v12 =	vand.u32 $0xFFFF0000, v27;
	v31 =	vld [tilespmem:s22+$0x20]  }
0x30: {  	v16 =	vadd.f32 v22, v16;
	v22 =	vand.u32 $0xFFFF0000, v26;
	v14 =	vadd.f32 v12, v14;
	v10 =	vld [tilespmem:s22+$0xFFFFFFF0]  }
0x31: {  	v19 =	vadd.f32 v23, v19;
	v15 =	vadd.f32 v25, v15;
	v12 =	vld [tilespmem:s22+$0xFFFFFFC0];
	v26 =	vshll.u32 v29, $0x10  }
0x32: {  	v21 =	vadd.f32 v33, v21;
	v20 =	vadd.f32 v22, v20;
	v24 =	vld [tilespmem:s22+$0x10];
	v23 =	vshll.u32 v28, $0x10  }
0x33: {  	v7 =	vadd.f32 v26, v7;
	v27 =	vand.u32 $0xFFFF0000, v28;
	v25 =	vld [tilespmem:s22+$0x0];
	v8 =	vadd.f32 v23, v8  }
0x34: {  	v23 =	vand.u32 $0xFFFF0000, v29;
	v29 =	vshll.u32 v31, $0x10;
	v28 =	vand.u32 $0xFFFF0000, v31;
	v26 =	vld [tilespmem:s23+$0xCC00]  }
.Ltmp0:
0x35: {  	v30 =	vshll.u32 v32, $0x10;
	v22 =	vand.u32 $0xFFFF0000, v32;
	v9 =	vadd.f32 v27, v9;
	(pc) =	sbr.rel @p0 .LBB2_3-.Ltmp0, $4  }
0x36: {  	v2 =	vadd.f32 v23, v2;
	v23 =	vand.u32 $0xFFFF0000, v10;
	v31 =	vshll.u32 v12, $0x10;
	v27 =	vld [tilespmem:s23+$0xCC10]  }
0x37: {  	v3 =	vadd.f32 v28, v3;
	v6 =	vadd.f32 v23, v6;
	v23 =	vand.u32 $0xFFFF0000, v24  }
0x38: {  	v4 =	vadd.f32 v30, v4  }
0x39: {  	s22 =	sadd.s32 $0x80, s22;
	v1 =	vadd.f32 v29, v1;
	v0 =	vadd.f32 v31, v0;
	v28 =	vshll.u32 v25, $0x10  }
0x3a: {  	p0 =	seq.s32 s20, $0x7F  }
0x3b: {  	s21 =	smul.u32 @!p0 $0x340, s20;
	_ =	sdelay $0x1  }
0x3c: {  	s21 =	sshra.s32 @!p0 s21, $0x2  }
0x3d: {  	s23 =	simm.s32 @!p0 $0x64;
	s24 =	simm.s32 @!p0 $0x6800;
	s22 =	sadd.s32 @!p0 $0xD0, s21  }
0x3e: {  	[tilespmem:s24], [sflag:$0x1] =	stream.indirect.gather @!p0 [hbm4b:s3+s23], $0x80, s22, s23, $0xb8;
	[tilespmem:$0xE640] =	vst v63  }
0x3f: {  	s24 =	simm.s32 @!p0 $0xCC00  }
0x40: {  	[tilespmem:s24], [sflag:$0x1] =	stream.indirect.gather @!p0 [hbm4b:s4+s23], $0x20, s22, s23, $0xb8;
	[tilespmem:$0xE640] =	vst v63  }
0x41: {  	_ =	swait.ge [sflag:s17], $0x3200  }
0x42: {  	[sflag:s17] =	ssyncset.done $0x0  }
0x43: {  	[sflag:s17] =	ssyncadd.s32 $0xFFFFCE00  }
0x44: {  	_ =	swait.ge [sflag:s17], $0xC80  }
0x45: {  	[sflag:s17] =	ssyncset.done $0x0  }
0x46: {  	v29 =	vand.u32 $0xFFFF0000, v12;
	s30 =	simm.s32 $0x9A40;
	[sflag:s17] =	ssyncadd.s32 $0xFFFFF380  }
0x47: {  	v12 =	vadd.f32 v28, v5;
	v5 =	vshll.u32 v24, $0x10;
	v24 =	vand.u32 $0xFFFF0000, v25;
	v28 =	vld [tilespmem:s30+$0xFFFFFFD0]  }
0x48: {  	v25 =	vshll.u32 v26, $0x10;
	v32 =	vshll.u32 v10, $0x10;
	v13 =	vadd.f32 v5, v13;
	v31 =	vld [tilespmem:s30+$0x30]  }
0x49: {  	v30 =	vshll.u32 v27, $0x10;
	v18 =	vadd.f32 v29, v18;
	v11 =	vadd.f32 v25, v11;
	v29 =	vld [tilespmem:s30+$0xFFFFFFE0]  }
0x4a: {  	v10 =	vand.u32 $0xFFFF0000, v27;
	v5 =	vadd.f32 v30, v17;
	v17 =	vadd.f32 v22, v16;
	v22 =	vld [tilespmem:s30+$0xFFFFFFF0]  }
0x4b: {  	v26 =	vand.u32 $0xFFFF0000, v26;
	v10 =	vadd.f32 v10, v14;
	v16 =	vadd.f32 v24, v15;
	v27 =	vld [tilespmem:s30+$0x20]  }
0x4c: {  	v15 =	vadd.f32 v23, v19;
	v19 =	vadd.f32 v32, v21;
	v25 =	vld [tilespmem:s30+$0xFFFFFFC0];
	v21 =	vshll.u32 v28, $0x10  }
0x4d: {  	v14 =	vadd.f32 v26, v20;
	v23 =	vld [tilespmem:s30+$0x10];
	v26 =	vshll.u32 v31, $0x10;
	v20 =	vadd.f32 v21, v7  }
0x4e: {  	s31 =	simm.s32 $0x0;
	v24 =	vld [tilespmem:s30+$0x0];
	v21 =	vand.u32 $0xFFFF0000, v31;
	v7 =	vadd.f32 v26, v8;
	v26 =	vand.u32 $0xFFFF0000, v28  }
0x4f: {  	v8 =	vadd.f32 v21, v9;
	v21 =	vand.u32 $0xFFFF0000, v22;
	v9 =	vadd.f32 v26, v2;
	v26 =	vld [tilespmem:s31+$0xD890]  }
0x50: {  	v30 =	vshll.u32 v27, $0x10;
	v63 =	vshll.u32 v29, $0x10;
	v6 =	vadd.f32 v21, v6;
	v21 =	vld [tilespmem:s31+$0xD880]  }
0x51: {  	v31 =	vand.u32 $0xFFFF0000, v27;
	v28 =	vand.u32 $0xFFFF0000, v29;
	v29 =	vshll.u32 v25, $0x10  }
0x52: {  	v27 =	vand.u32 $0xFFFF0000, v23;
	v2 =	vadd.f32 v31, v3;
	v3 =	vadd.f32 v63, v4  }
0x53: {  	s22 =	simm.s32 $0x80;
	s23 =	simm.s32 $0x9AC0;
	v4 =	vadd.f32 v29, v0;
	v29 =	vshll.u32 v24, $0x10;
	v0 =	vadd.f32 v30, v1  }
.LBB2_5:
0x54: {  	v1 =	vld [tilespmem:s23+$0xFFFFFFD0];
	s24 =	sshra.s32 s22, $0x2;
	p1 =	sne.s32 s22, $0x3180;
	s22 =	sadd.s32 $0x80, s22;
	v25 =	vand.u32 $0xFFFF0000, v25;
	v12 =	vadd.f32 v29, v12;
	v23 =	vshll.u32 v23, $0x10  }
0x55: {  	v24 =	vand.u32 $0xFFFF0000, v24;
	v30 =	vshll.u32 v21, $0x10;
	v29 =	vld [tilespmem:s23+$0x30];
	v31 =	vshll.u32 v26, $0x10  }
0x56: {  	v33 =	vshll.u32 v22, $0x10;
	v13 =	vadd.f32 v23, v13;
	v32 =	vld [tilespmem:s23+$0xFFFFFFE0];
	v5 =	vadd.f32 v31, v5  }
0x57: {  	v18 =	vadd.f32 v25, v18;
	v11 =	vadd.f32 v30, v11;
	v23 =	vand.u32 $0xFFFF0000, v26;
	v31 =	vld [tilespmem:s23+$0x20]  }
0x58: {  	v17 =	vadd.f32 v28, v17;
	v21 =	vand.u32 $0xFFFF0000, v21;
	v10 =	vadd.f32 v23, v10;
	v22 =	vld [tilespmem:s23+$0xFFFFFFF0]  }
0x59: {  	v15 =	vadd.f32 v27, v15;
	v16 =	vadd.f32 v24, v16;
	v25 =	vld [tilespmem:s23+$0xFFFFFFC0];
	v26 =	vshll.u32 v1, $0x10  }
0x5a: {  	v19 =	vadd.f32 v33, v19;
	v14 =	vadd.f32 v21, v14;
	v23 =	vld [tilespmem:s23+$0x10];
	v27 =	vshll.u32 v29, $0x10  }
0x5b: {  	v20 =	vadd.f32 v26, v20;
	v26 =	vand.u32 $0xFFFF0000, v29;
	v24 =	vld [tilespmem:s23+$0x0];
	v7 =	vadd.f32 v27, v7  }
0x5c: {  	v1 =	vand.u32 $0xFFFF0000, v1;
	v30 =	vshll.u32 v31, $0x10;
	v29 =	vand.u32 $0xFFFF0000, v31;
	v21 =	vld [tilespmem:s24+$0xD880]  }
.Ltmp1:
0x5d: {  	v28 =	vand.u32 $0xFFFF0000, v32;
	v8 =	vadd.f32 v26, v8;
	v31 =	vshll.u32 v32, $0x10;
	(pc) =	sbr.rel @p1 .LBB2_5-.Ltmp1, $4  }
0x5e: {  	v9 =	vadd.f32 v1, v9;
	v1 =	vand.u32 $0xFFFF0000, v22;
	v32 =	vshll.u32 v25, $0x10;
	v26 =	vld [tilespmem:s24+$0xD890]  }
0x5f: {  	v2 =	vadd.f32 v29, v2;
	v6 =	vadd.f32 v1, v6;
	v27 =	vand.u32 $0xFFFF0000, v23  }
0x60: {  	v3 =	vadd.f32 v31, v3  }
0x61: {  	s23 =	sadd.s32 $0x80, s23;
	v0 =	vadd.f32 v30, v0;
	v4 =	vadd.f32 v32, v4;
	v29 =	vshll.u32 v24, $0x10  }
0x62: {  	s21 =	sadd.s32 @!p0 $0x138, s21;
	s22 =	simm.s32 @!p0 $0x64;
	s23 =	simm.s32 @!p0 $0x9A00  }
0x63: {  	[tilespmem:s23], [sflag:$0x2] =	stream.indirect.gather @!p0 [hbm4b:s3+s22], $0x80, s21, s22, $0xb8;
	[tilespmem:$0xE640] =	vst v63  }
0x64: {  	v1 =	vand.u32 $0xFFFF0000, v25;
	s23 =	simm.s32 @!p0 $0xD880  }
0x65: {  	v1 =	vadd.f32 v1, v18;
	[tilespmem:s23], [sflag:$0x2] =	stream.indirect.gather @!p0 [hbm4b:s4+s22], $0x20, s21, s22, $0xb8;
	[tilespmem:$0xE640] =	vst v63  }
0x66: {  	[tilespmem:$0xE500] =	vst v4  }
0x67: {  	[tilespmem:$0xE510] =	vst v1  }
0x68: {  	[tilespmem:$0xE520] =	vst v20  }
0x69: {  	v54 =	vadd.f32 v28, v17;
	[tilespmem:$0xE530] =	vst v9  }
0x6a: {  	[tilespmem:$0xE540] =	vst v3  }
0x6b: {  	v55 =	vadd.f32 v29, v12;
	[tilespmem:$0xE550] =	vst v54  }
0x6c: {  	v58 =	vadd.f32 v27, v15;
	[tilespmem:$0xE570] =	vst v6  }
0x6d: {  	[tilespmem:$0xE580] =	vst v55  }
0x6e: {  	[tilespmem:$0xE5B0] =	vst v58  }
0x6f: {  	[tilespmem:$0xE5C0] =	vst v0  }
0x70: {  	v62 =	vand.u32 $0xFFFF0000, v26;
	[tilespmem:$0xE5D0] =	vst v2  }
0x71: {  	v53 =	vshll.u32 v22, $0x10;
	v63 =	vadd.f32 v62, v10;
	[tilespmem:$0xE5E0] =	vst v7  }
0x72: {  	v56 =	vand.u32 $0xFFFF0000, v24;
	v1 =	vadd.f32 v53, v19;
	[tilespmem:$0xE5F0] =	vst v8  }
0x73: {  	v59 =	vshll.u32 v21, $0x10;
	v4 =	vadd.f32 v56, v16;
	[tilespmem:$0xE630] =	vst v63  }
0x74: {  	v57 =	vshll.u32 v23, $0x10;
	v0 =	vadd.f32 v59, v11;
	[tilespmem:$0xE560] =	vst v1  }
0x75: {  	v61 =	vshll.u32 v26, $0x10;
	v1 =	vadd.f32 v57, v13;
	[tilespmem:$0xE590] =	vst v4  }
0x76: {  	v60 =	vand.u32 $0xFFFF0000, v21;
	s31 =	sadd.s32 s7, s20;
	v2 =	vadd.f32 v61, v5;
	[tilespmem:$0xE600] =	vst v0  }
0x77: {  	s20 =	sadd.s32 $0x1, s20;
	s21 =	smul.u32 $0x28, s31;
	[tilespmem:$0xE5A0] =	vst v1;
	v1 =	vadd.f32 v60, v14  }
0x78: {  	p0 =	sne.s32 s20, $0x80;
	[tilespmem:$0xE620] =	vst v2  }
.Ltmp2:
0x79: {  	s21 =	sadd.s32 s5, s21;
	[tilespmem:$0xE610] =	vst v1;
	(pc) =	sbr.rel @p0 .LBB2_2-.Ltmp2, $4  }
0x7a: {  	[hbm4b:s21+s2] =	stream.linear.scatter [tilespmem:s18], [sflag:$0x3], $0x140, $0x38;
	[tilespmem:$0xE640] =	vst v63  }
0x7b: {  	_ =	swait.ge [sflag:s9], $0x140  }
0x7c: {  	[sflag:s9] =	ssyncset.done $0x0  }
0x7d: {  	[sflag:s9] =	ssyncadd.s32 $0xFFFFFEC0  }
0x7e: {  	s19 =	sadd.s32 $0x1, s19  }
0x7f: {  	p0 =	sne.s32 s19, s8  }
.Ltmp3:
0x80: {  	_ = 	snop;
	(pc) =	sbr.rel @p0 .LBB2_1-.Ltmp3, $1  }
0x81: {  	_ =	sdelay $0x3  }
0x82: {  	_ =	sfence.sel $0x180000  }
0x83: {  	[bflag:$0x0] =	sbarrier.arrive $0xFFFF  }
0x84: {  	p0 =	sne.s32 s0, $0x0;
	_ =	strace $0x9000004A  }
0x85: {  	s0 =	sadd.s32 @!p0 $0x100000, s1;
	[bflag:$0x2] =	sbarrier.arrive $0xFFFF  }
0x86: {  	[sflag:s0] =	ssyncadd.tile.s32 @!p0 $0x1;
	_ =	shalt  }
.Lfunc_end2:
_tile_overlayer_lowered:
.L_overlay_start_2:
0x87: {  	(tag) =	ssettag $0x2  }
0x88: {  	s0 =	rddreg [dreg:$0x0];
	s2 =	stileid.u32  }
0x89: {  	s1 =	rddreg [dreg:$0x1];
	p0 =	sne.s32 s2, $0x0  }
0x8a: {  	s3 =	rddreg [dreg:$0x2];
	[bflag:$0x3] =	sbarrier.arrive $0xFFFF;
	s2 =	simm.s32 @!p0 $0x1C03  }
0x8b: {  	[timem:s3], [sflag:s2] =	dma.local @!p0 [hbm:s0], s1  }
0x8c: {  	s0 =	simm.s32 @!p0 $0x3  }
0x8d: {  	_ =	swait.ge @!p0 [sflag:s0], s1  }
0x8e: {  	s1 =	ssub.s32 @!p0 $0x0, s1;
	[sflag:s0] =	ssyncset.done @!p0 $0x0  }
0x8f: {  	[sflag:s0] =	ssyncadd.s32 @!p0 s1  }
0x90: {  	[bflag:$0x3] =	sbarrier.arrive $0xFFFF  }
0x91: {  	_ =	shalt  }

// kernel: sparse-core-data-format-call.cloned.1.call-start
scs
called_computation_lowered:
.L_overlay_start_0:
0x0: {  	s1 =	sld [smem:$0x3FD9]  }
0x1: {  	s2 =	sld [smem:$0x3FFE];
	_ =	sdelay $0x1  }
0x2: {  	s3 =	srdreg.scid  }
0x3: {  	s0 =	sand.u32 $0x1, s3  }
0x4: {  	s17 =	sshll.u32 s0, $0xA;
	s1 =	sadd.s32 s2, s1  }
0x5: {  	s1 =	sadd.s32 s1, s17  }
0x6: {  	[smem:$0x3FC0] =	sst s1  }
0x7: {  	_ = 	snop  }
0x8: {  	(tm) =	ssettm $0x1  }
0x9: {  	s18 =	sld [smem:$0x3FFB];
	_ =	sdelay $0x3  }
0xa: {  	_ =	strace s18  }
0xb: {  	s1 =	sld [smem:$0x3FFC];
	_ =	sdelay $0x3  }
0xc: {  	_ =	strace s1  }
0xd: {  	s1 =	sld [smem:$0x3FFD];
	_ =	sdelay $0x3  }
0xe: {  	_ =	strace s1  }
0xf: {  	_ =	strace $0x8FFFFFFF  }
0x10: {  	s19 =	sld [smem:$0x3FDB];
	_ =	sdelay $0x1  }
0x11: {  	s20 =	simm.s32 $_scs_section_size  }
0x12: {  	s4 =	simm.s32 $_size__tile_overlayer_lowered;
	s5 =	simm.s32 $_tile_overlayer_lowered  }
0x13: {  	s23 =	simm.s32 $0x1BFF;
	s22 =	sshll.u32 s5, $0x1;
	s1 =	sadd.s32 s20, s19  }
0x14: {  	s6 =	simm.s32 $0x0;
	s21 =	sshll.u32 s4, $0x1;
	s4 =	sadd.s32 s22, s1  }
0x15: {  	[timem:s6], [sflag:s23] =	dma.local [hbm:s4], s21  }
0x16: {  	_ =	swait.ge [sflag:s23], s21  }
0x17: {  	s2 =	ssub.s32 $0x0, s21;
	[sflag:s23] =	ssyncset.done $0x0  }
0x18: {  	[sflag:s23] =	ssyncadd.s32 s2;
	_ =	sdelay $0x1  }
0x19: {  	s24 =	simm.s32 $0x1B8B  }
0x1a: {  	_ =	swait.ge [sflag:s24], $0x1  }
0x1b: {  	[sflag:s24] =	ssyncset.done $0x0  }
0x1c: {  	s26 =	simm.s32 $0x1B8E;
	s25 =	sld [smem:$0x3FFE];
	[sflag:s24] =	ssyncadd.s32 $0xFFFFFFFF  }
0x1d: {  	s27 =	simm.s32 $execute0_lowered;
	[smem:$0x3FD2] =	sst s26  }
0x1e: {  	s4 =	sshll.u32 s27, $0x1;
	_ =	strace $0x80000046;
	[dreg:$0x1] =	wrdreg $0xFFFFFFFF  }
0x1f: {  	s28 =	simm.s32 $_size_execute0_lowered;
	s1 =	sadd.s32 s1, s4;
	[dreg:$0x0] =	wrdreg $0x0  }
0x20: {  	s4 =	sshll.u32 s28, $0x1;
	[dreg:$0x2] =	wrdreg s1  }
0x21: {  	[dreg:$0x3] =	wrdreg s4  }
0x22: {  	[dreg:$0x4] =	wrdreg $0xC0  }
0x23: {  	_ =	task [dreg:s6], $0x5FFFF  }
0x24: {  	[dreg:$0x1] =	wrdreg $0xFFFFFFFF  }
0x25: {  	[dreg:$0x0] =	wrdreg $0x60  }
0x26: {  	[dreg:$0x2] =	wrdreg s25  }
0x27: {  	[dreg:$0x3] =	wrdreg $0x9  }
0x28: {  	_ =	task.clear_ibuf [dreg:s6], $0x4FFFF;
	_ =	strace $0x90000046  }
0x29: {  	s29 =	simm.s32 $0x9;
	_ =	strace $0x80000048  }
0x2a: {  	_ =	swait.ge [sflag:s29], $0x1  }
0x2b: {  	[sflag:s29] =	ssyncadd.s32 $0xFFFFFFFF  }
0x2c: {  	_ =	strace $0x90000048  }
0x2d: {  	_ =	sfence  }
0x2e: {  	s30 =	sld [smem:$0x0];
	_ =	sdelay $0x2  }
0x2f: {  	s31 =	sshll.u32 s3, $0xD;
	s3 =	sshrl.u32 s3, $0x2  }
0x30: {  	s2 =	sand.u32 $0x4000, s31;
	s1 =	sadd.s32 s3, s30  }
0x31: {  	s0 =	sor.u32 s2, s0;
	s1 =	sshll.u32 s1, $0x11  }
0x32: {  	s0 =	sor.u32 s1, s0  }
0x33: {  	s0 =	sadd.s32 $0x8F2B, s0  }
0x34: {  	[sflag:s0] =	ssyncadd.remote.s32 $0x1  }
0x35: {  	_ =	sfence.sel $0xFFFF  }
0x36: {  	[dreg:$0x0] =	wrdreg $0xFFFFFFFF;
	(pc) =	sbr.abs _section_cstart, $3  }
0x37: {  	[dreg:$0x1] =	wrdreg $0xFFFFFFFF  }
0x38: {  	_ =	task.clear_ibuf [dreg:s6], $0x2FFFF;
	_ =	strace $0x9FFFFFFF  }
0x39: {  	(tm) =	ssettm $0x7FFFFFFF  }
tec
execute0_lowered:
.L_overlay_start_1:
0x0: {  	(tag) =	ssettag $0x1  }
0x1: {  	s0 =	srdreg.scid  }
0x2: {  	s5 =	rddreg [dreg:$0x0];
	s1 =	stileid.u32;
	s4 =	simm.s32 $0x1  }
0x3: {  	s6 =	simm.s32 $0x2;
	s8 =	simm.s32 $0x0;
	s2 =	sshll.u32 s0, $0x4  }
0x4: {  	s9 =	simm.s32 $0x0;
	s13 =	simm.s32 $0x0;
	s2 =	sand.u32 $0x10, s2  }
.Ltmp0:
0x5: {  	s10 =	simm.s32 $0x0;
	s3 =	sor.u32 s1, s2;
	(pc) =	sbr.rel .LBB1_1-.Ltmp0, $4  }
0x6: {  	s0 =	rddreg [dreg:$0x1];
	_ =	strace $0x80000047;
	s3 =	sshll.u32 s3, $0x4  }
0x7: {  	s12 =	simm.s32 $0x0;
	[sflag:s4] =	ssyncpa.u1 $0x0;
	s7 =	ssub.s32 $0x30D0, s3  }
0x8: {  	s2 =	sadd.s32 $0x24BA00, s5;
	[sflag:s6] =	ssyncpa.u1 $0x0;
	s6 =	sshrl.u32 s7, $0x9  }
0x9: {  	s5 =	sadd.s32 $0x3D2400, s5;
	s11 =	smov.u32 s3;
	s7 =	sadd.s32 $0x2, s6  }
.LBB1_7:
0xa: {  	s15 =	sshll.u32 s12, $0xF  }
0xb: {  	s15 =	sand.u32 $0x8000, s15  }
0xc: {  	s16 =	sshll.u32 s10, $0x7;
	s15 =	sshrl.u32 s15, $0x1  }
0xd: {  	s16 =	sadd.s32 s5, s16;
	s15 =	sor.u32 $0x8000, s15  }
0xe: {  	[hbm4b:s16+s8] =	stream.linear.scatter [tilespmem:s15], [sflag:$0x2], s14, $0x38;
	[tilespmem:$0x10000] =	vst v63  }
.LBB1_8:
0xf: {  	p0 =	slt.u32 s12, $0x2  }
0x10: {  	p1 =	sgt.s32 @!p0 s13, $0x30C4  }
0x11: {  	s14 =	smov.u32 s13;
	s15 =	sshra.s32 @!p0 s13, $0x1F;
	p1 =	por !p1, p0  }
0x12: {  	s13 =	sand.u32 @!p0 s15, s13;
	s14 =	simm.s32 @p1 $0x30C4  }
0x13: {  	s13 =	ssub.s32 @!p0 s14, s13  }
0x14: {  	s13 =	sadd.s32 @!p0 $0xFFFFCF3C, s13  }
0x15: {  	s14 =	sshll.u32 @!p0 s13, $0xC  }
0x16: {  	p1 =	sgt.s32 @!p0 s13, $0xF;
	s13 =	ssub.s32 @!p0 $0x10000, s14  }
0x17: {  	s15 =	sadd.s32 $0x200, s11;
	p1 =	por !p1, p0;
	s13 =	sshrl.u32 @!p0 s13, $0x2  }
0x18: {  	s13 =	simm.s32 @!p1 $0x0;
	p1 =	sgt.s32 s15, $0x30D3  }
0x19: {  	s15 =	smov.u32 @p1 s3;
	p1 =	sne.s32 s12, s7  }
.Ltmp1:
0x1a: {  	_ = 	snop;
	(pc) =	sbr.rel @!p1 .LBB1_9-.Ltmp1, $4  }
0x1b: {  	s14 =	simm.s32 @!p0 $0x2  }
0x1c: {  	s9 =	sadd.s32 $0x8000, s9;
	_ =	swait.ge @!p0 [sflag:s14], s13;
	s16 =	ssub.s32 @!p0 $0x0, s13  }
0x1d: {  	s13 =	smov.u32 s10;
	s12 =	sadd.s32 $0x1, s12;
	[sflag:s14] =	ssyncset.done @!p0 $0x0  }
0x1e: {  	s10 =	smov.u32 s11;
	s11 =	smov.u32 s15;
	[sflag:s14] =	ssyncadd.s32 @!p0 s16  }
.LBB1_1:
0x1f: {  	p0 =	sgt.u32 s12, s6  }
0x20: {  	p1 =	sgt.s32 @!p0 s11, $0x30C4  }
0x21: {  	s14 =	smov.u32 s11;
	s15 =	sshra.s32 @!p0 s11, $0x1F;
	p1 =	por !p1, p0  }
0x22: {  	s15 =	sand.u32 @!p0 s15, s11;
	s14 =	simm.s32 @p1 $0x30C4  }
0x23: {  	s14 =	ssub.s32 @!p0 s14, s15  }
0x24: {  	s14 =	sadd.s32 @!p0 $0xFFFFCF3C, s14  }
0x25: {  	s16 =	sshll.u32 @!p0 s11, $0x7;
	s17 =	simm.s32 @!p0 $0x0;
	s15 =	sshll.u32 @!p0 s14, $0xC  }
0x26: {  	p1 =	sgt.s32 @!p0 s14, $0xF;
	s14 =	ssub.s32 @!p0 $0x10000, s15;
	s15 =	sxor.u32 @!p0 $0xFFFFFFFF, s12  }
0x27: {  	p1 =	por !p1, p0;
	s14 =	sshrl.u32 @!p0 s14, $0x2;
	s15 =	sshll.u32 @!p0 s15, $0xE  }
0x28: {  	s16 =	sadd.s32 @!p0 s2, s16;
	s14 =	simm.s32 @!p1 $0x0;
	s15 =	sand.u32 @!p0 $0x4000, s15  }
0x29: {  	[tilespmem:s15], [sflag:$0x1] =	stream.linear.gather @!p0 [hbm4b:s16+s17], s14, $0x38;
	[tilespmem:$0x10000] =	vst v63  }
0x2a: {  	p0 =	seq.s32 s12, $0x0  }
0x2b: {  	p1 =	sge.u32 @!p0 s12, s7  }
0x2c: {  	p0 =	por p0, p1  }
.Ltmp2:
0x2d: {  	_ = 	snop;
	(pc) =	sbr.rel @p0 .LBB1_8-.Ltmp2, $1  }
0x2e: {  	_ =	sdelay $0x3  }
0x2f: {  	p0 =	sgt.s32 s10, $0x30C4;
	s14 =	smov.u32 s10;
	s15 =	sshra.s32 s10, $0x1F  }
0x30: {  	s14 =	simm.s32 @!p0 $0x30C4;
	s15 =	sand.u32 s15, s10  }
0x31: {  	s14 =	ssub.s32 s14, s15  }
0x32: {  	s16 =	sadd.s32 $0x10, s10;
	s14 =	sadd.s32 $0xFFFFCF3C, s14  }
0x33: {  	p1 =	slt.s32 s16, $0x30D4;
	s30 =	sshll.u32 s14, $0xC  }
0x34: {  	s16 =	simm.s32 @!p1 $0x30D4;
	s15 =	ssub.s32 $0x10000, s30  }
0x35: {  	p0 =	sgt.s32 s14, $0xF;
	s14 =	sshrl.u32 s15, $0x2;
	s15 =	ssub.s32 s16, s10  }
0x36: {  	s14 =	simm.s32 @p0 $0x0;
	p0 =	slt.s32 s15, $0x1  }
.Ltmp3:
0x37: {  	_ = 	snop;
	(pc) =	sbr.rel @p0 .LBB1_7-.Ltmp3, $4  }
0x38: {  	_ = 	snop  }
0x39: {  	_ =	swait.ge [sflag:s4], s14  }
0x3a: {  	s31 =	ssub.s32 $0x0, s14;
	[sflag:s4] =	ssyncset.done $0x0  }
0x3b: {  	[sflag:s4] =	ssyncadd.s32 s31  }
0x3c: {  	s16 =	sshrl.u32 s9, $0x1  }
0x3d: {  	s17 =	sand.u32 $0x4000, s16  }
0x3e: {  	s18 =	simm.s32 $0x0;
	s16 =	sor.u32 $0x200, s17;
	s17 =	sor.u32 $0x8080, s17  }
.LBB1_4:
0x3f: {  	v0 =	vld [tilespmem:s16+$0xFFFFFE70]  }
0x40: {  	v1 =	vld [tilespmem:s16+$0x70]  }
0x41: {  	v2 =	vld [tilespmem:s16+$0x0]  }
0x42: {  	v3 =	vld [tilespmem:s16+$0xFFFFFE10]  }
0x43: {  	v4 =	vld [tilespmem:s16+$0x10]  }
0x44: {  	v5 =	vld [tilespmem:s16+$0xFFFFFE20]  }
0x45: {  	v7 =	vld [tilespmem:s16+$0x20]  }
0x46: {  	v11 =	vld [tilespmem:s16+$0x30];
	v6 =	vunpack.i.l.s16.s32 v0;
	v8 =	vunpack.i.u.s16.s32 v0;
	v9 =	vunpack.i.u.s16.s32 v1  }
0x47: {  	v10 =	vunpack.i.l.s16.s32 v1;
	v0 =	vunpack.i.u.s16.s32 v2;
	v1 =	vunpack.i.l.s16.s32 v2;
	v2 =	vld [tilespmem:s16+$0xFFFFFE30]  }
0x48: {  	v8 =	vpack.i.b32.b16 v9, v8;
	v9 =	vunpack.i.u.s16.s32 v3;
	v3 =	vunpack.i.l.s16.s32 v3  }
0x49: {  	v12 =	vld [tilespmem:s16+$0xFFFFFE40];
	v6 =	vpack.i.b32.b16 v10, v6;
	[tilespmem:s17+$0x70] =	vst v8;
	v8 =	vunpack.i.u.s16.s32 v4;
	v4 =	vunpack.i.l.s16.s32 v4  }
0x4a: {  	v13 =	vld [tilespmem:s16+$0x40];
	v10 =	vunpack.i.u.s16.s32 v5;
	v5 =	vunpack.i.l.s16.s32 v5;
	[tilespmem:s17+$0xFFFFFFF0] =	vst v6;
	v3 =	vpack.i.b32.b16 v4, v3  }
0x4b: {  	v6 =	vunpack.i.l.s16.s32 v7;
	v4 =	vld [tilespmem:s16+$0xFFFFFE50];
	[tilespmem:s17+$0xFFFFFF90] =	vst v3;
	v3 =	vpack.i.b32.b16 v8, v9;
	v8 =	vunpack.i.u.s16.s32 v7  }
0x4c: {  	v7 =	vunpack.i.l.s16.s32 v11;
	[tilespmem:s17+$0x10] =	vst v3;
	v3 =	vpack.i.b32.b16 v6, v5;
	v9 =	vunpack.i.u.s16.s32 v2;
	v6 =	vld [tilespmem:s16+$0x50]  }
0x4d: {  	v5 =	vunpack.i.l.s16.s32 v2;
	v2 =	vld [tilespmem:s16+$0xFFFFFE60];
	[tilespmem:s17+$0xFFFFFFA0] =	vst v3;
	v3 =	vpack.i.b32.b16 v8, v10;
	v10 =	vunpack.i.u.s16.s32 v11  }
0x4e: {  	s21 =	simm.s32 $0x0;
	v11 =	vpack.i.b32.b16 v7, v5;
	v7 =	vunpack.i.u.s16.s32 v12;
	v8 =	vunpack.i.l.s16.s32 v12;
	[tilespmem:s17+$0x20] =	vst v3;
	v3 =	vld [tilespmem:s16+$0x60]  }
0x4f: {  	s22 =	sadd.s32 $0x80, s16;
	s20 =	smov.u32 s17;
	s19 =	smov.u32 s17;
	v5 =	vld [tilespmem:s16+$0xFFFFFE00];
	[tilespmem:s17+$0xFFFFFFB0] =	vst v11;
	v10 =	vpack.i.b32.b16 v10, v9;
	v9 =	vunpack.i.u.s16.s32 v13;
	v11 =	vunpack.i.l.s16.s32 v13  }
.LBB1_5:
0x50: {  	v12 =	vld [tilespmem:s22+$0xFFFFFE70];
	[tilespmem:s20+$0x30] =	vst v10;
	v8 =	vpack.i.b32.b16 v11, v8;
	v10 =	vunpack.i.u.s16.s32 v4;
	v4 =	vunpack.i.l.s16.s32 v4  }
0x51: {  	s21 =	sadd.s32 $0x2, s21;
	v7 =	vpack.i.b32.b16 v9, v7;
	v11 =	vld [tilespmem:s22+$0x70];
	[tilespmem:s20+$0xFFFFFFC0] =	vst v8;
	v8 =	vunpack.i.u.s16.s32 v6;
	v6 =	vunpack.i.l.s16.s32 v6  }
0x52: {  	p0 =	slt.u32 s21, $0x6;
	v9 =	vld [tilespmem:s22+$0x0];
	[tilespmem:s20+$0x40] =	vst v7;
	v4 =	vpack.i.b32.b16 v6, v4;
	v6 =	vunpack.i.u.s16.s32 v2;
	v2 =	vunpack.i.l.s16.s32 v2  }
0x53: {  	v7 =	vld [tilespmem:s22+$0xFFFFFE10];
	[tilespmem:s20+$0xFFFFFFD0] =	vst v4;
	v4 =	vpack.i.b32.b16 v8, v10;
	v8 =	vunpack.i.u.s16.s32 v3;
	v3 =	vunpack.i.l.s16.s32 v3  }
0x54: {  	v10 =	vld [tilespmem:s22+$0x10];
	v13 =	vunpack.i.u.s16.s32 v5;
	v5 =	vunpack.i.l.s16.s32 v5;
	[tilespmem:s20+$0x50] =	vst v4;
	v2 =	vpack.i.b32.b16 v3, v2  }
0x55: {  	v3 =	vld [tilespmem:s22+$0xFFFFFE20];
	v4 =	vunpack.i.l.s16.s32 v12;
	v1 =	vpack.i.b32.b16 v1, v5;
	v5 =	vpack.i.b32.b16 v0, v13;
	[tilespmem:s20+$0xFFFFFFE0] =	vst v2  }
0x56: {  	v12 =	vunpack.i.u.s16.s32 v12;
	v2 =	vld [tilespmem:s22+$0x20];
	v13 =	vunpack.i.u.s16.s32 v11;
	v11 =	vunpack.i.l.s16.s32 v11;
	[tilespmem:s20+$0xFFFFFF80] =	vst v1  }
0x57: {  	s20 =	sadd.s32 $0x100, s20;
	v0 =	vunpack.i.u.s16.s32 v9;
	v1 =	vunpack.i.l.s16.s32 v9;
	v9 =	vld [tilespmem:s22+$0xFFFFFE30];
	v12 =	vpack.i.b32.b16 v13, v12;
	[tilespmem:s19+$0x0] =	vst v5  }
0x58: {  	v6 =	vpack.i.b32.b16 v8, v6;
	v5 =	vunpack.i.u.s16.s32 v7;
	v7 =	vunpack.i.l.s16.s32 v7;
	v13 =	vld [tilespmem:s22+$0x30];
	[tilespmem:s20+$0x70] =	vst v12  }
0x59: {  	v4 =	vpack.i.b32.b16 v11, v4;
	v8 =	vunpack.i.u.s16.s32 v10;
	v10 =	vunpack.i.l.s16.s32 v10;
	v12 =	vld [tilespmem:s22+$0xFFFFFE40];
	[tilespmem:s19+$0x60] =	vst v6;
	s19 =	smov.u32 s20  }
0x5a: {  	v6 =	vpack.i.b32.b16 v10, v7;
	v7 =	vunpack.i.u.s16.s32 v3;
	v3 =	vunpack.i.l.s16.s32 v3;
	v11 =	vld [tilespmem:s22+$0x40];
	[tilespmem:s20+$0xFFFFFFF0] =	vst v4  }
.Ltmp4:
0x5b: {  	v5 =	vpack.i.b32.b16 v8, v5;
	[tilespmem:s20+$0xFFFFFF90] =	vst v6;
	v8 =	vunpack.i.u.s16.s32 v2;
	v2 =	vunpack.i.l.s16.s32 v2;
	v4 =	vld [tilespmem:s22+$0xFFFFFE50];
	(pc) =	sbr.rel @p0 .LBB1_5-.Ltmp4, $4  }
0x5c: {  	[tilespmem:s20+$0x10] =	vst v5;
	v2 =	vpack.i.b32.b16 v2, v3;
	v10 =	vunpack.i.u.s16.s32 v9;
	v3 =	vunpack.i.l.s16.s32 v9;
	v6 =	vld [tilespmem:s22+$0x50]  }
0x5d: {  	v5 =	vpack.i.b32.b16 v8, v7;
	[tilespmem:s20+$0xFFFFFFA0] =	vst v2;
	v9 =	vunpack.i.u.s16.s32 v13;
	v7 =	vunpack.i.l.s16.s32 v13;
	v2 =	vld [tilespmem:s22+$0xFFFFFE60]  }
0x5e: {  	[tilespmem:s20+$0x20] =	vst v5;
	v13 =	vpack.i.b32.b16 v7, v3;
	v7 =	vunpack.i.u.s16.s32 v12;
	v8 =	vunpack.i.l.s16.s32 v12;
	v3 =	vld [tilespmem:s22+$0x60]  }
0x5f: {  	v10 =	vpack.i.b32.b16 v9, v10;
	v5 =	vld [tilespmem:s22+$0xFFFFFE00];
	[tilespmem:s20+$0xFFFFFFB0] =	vst v13;
	v9 =	vunpack.i.u.s16.s32 v11;
	v11 =	vunpack.i.l.s16.s32 v11;
	s22 =	sadd.s32 $0x80, s22  }
0x60: {  	[tilespmem:s20+$0x30] =	vst v10;
	v8 =	vpack.i.b32.b16 v11, v8  }
0x61: {  	v51 =	vunpack.i.l.s16.s32 v4;
	v7 =	vpack.i.b32.b16 v9, v7;
	[tilespmem:s20+$0xFFFFFFC0] =	vst v8;
	v52 =	vunpack.i.l.s16.s32 v6  }
0x62: {  	v53 =	vunpack.i.u.s16.s32 v4;
	s18 =	sadd.s32 $0x1, s18;
	v54 =	vunpack.i.u.s16.s32 v6;
	[tilespmem:s20+$0x40] =	vst v7;
	v55 =	vpack.i.b32.b16 v52, v51  }
0x63: {  	p0 =	sne.s32 s18, s15;
	v56 =	vunpack.i.l.s16.s32 v2;
	v4 =	vpack.i.b32.b16 v54, v53;
	[tilespmem:s20+$0xFFFFFFD0] =	vst v55;
	v57 =	vunpack.i.l.s16.s32 v3  }
.Ltmp5:
0x64: {  	[tilespmem:s20+$0x50] =	vst v4;
	v58 =	vunpack.i.l.s16.s32 v5;
	v59 =	vpack.i.b32.b16 v57, v56;
	(pc) =	sbr.rel @p0 .LBB1_4-.Ltmp5, $4  }
.Ltmp6:
0x65: {  	v61 =	vunpack.i.u.s16.s32 v2;
	v62 =	vunpack.i.u.s16.s32 v3;
	v1 =	vpack.i.b32.b16 v1, v58;
	[tilespmem:s20+$0xFFFFFFE0] =	vst v59;
	(pc) =	sbr.rel @!p0 .LBB1_7-.Ltmp6, $4  }
0x66: {  	v60 =	vunpack.i.u.s16.s32 v5;
	v63 =	vpack.i.b32.b16 v62, v61;
	[tilespmem:s20+$0xFFFFFF80] =	vst v1  }
0x67: {  	v0 =	vpack.i.b32.b16 v0, v60;
	[tilespmem:s19+$0x60] =	vst v63  }
0x68: {  	s16 =	sadd.s32 $0x400, s16;
	s17 =	sadd.s32 $0x400, s17;
	[tilespmem:s19+$0x0] =	vst v0  }
0x69: {  	_ = 	snop  }
.LBB1_9:
0x6a: {  	_ =	sfence.sel $0x180000  }
0x6b: {  	s2 =	simm.s32 $0x1;
	[bflag:$0x0] =	sbarrier.arrive $0xFFFF  }
0x6c: {  	s31 =	simm.s32 $0x2;
	[sflag:s2] =	ssyncpa.u1 $0x1  }
0x6d: {  	[sflag:s31] =	ssyncpa.u1 $0x1  }
0x6e: {  	p0 =	sne.s32 s1, $0x0;
	_ =	strace $0x90000047  }
0x6f: {  	s0 =	sadd.s32 @!p0 $0x100000, s0;
	[bflag:$0x2] =	sbarrier.arrive $0xFFFF  }
0x70: {  	[sflag:s0] =	ssyncadd.tile.s32 @!p0 $0x1;
	_ =	shalt  }
.Lfunc_end1:
_tile_overlayer_lowered:
.L_overlay_start_2:
0x71: {  	(tag) =	ssettag $0x2  }
0x72: {  	s0 =	rddreg [dreg:$0x0];
	s2 =	stileid.u32  }
0x73: {  	s1 =	rddreg [dreg:$0x1];
	p0 =	sne.s32 s2, $0x0  }
0x74: {  	s3 =	rddreg [dreg:$0x2];
	[bflag:$0x3] =	sbarrier.arrive $0xFFFF;
	s2 =	simm.s32 @!p0 $0x1C01  }
0x75: {  	[timem:s3], [sflag:s2] =	dma.local @!p0 [hbm:s0], s1  }
0x76: {  	s0 =	simm.s32 @!p0 $0x1  }
0x77: {  	_ =	swait.ge @!p0 [sflag:s0], s1  }
0x78: {  	s1 =	ssub.s32 @!p0 $0x0, s1;
	[sflag:s0] =	ssyncset.done @!p0 $0x0  }
0x79: {  	[sflag:s0] =	ssyncadd.s32 @!p0 s1  }
0x7a: {  	[bflag:$0x3] =	sbarrier.arrive $0xFFFF  }
0x7b: {  	_ =	shalt  }

</sc_bundles>
